<compile_context>
chip_gen: v7x
topology: tpu7x:2x2x1
jax: 0.10.2.dev20260603
libtpu: 0.0.44.dev20260713+nightly
codegen_flags: <defaults>
</compile_context>

<pallas_src>
import math

import jax
import jax.numpy as jnp
import numpy as np
from jax import lax
from jax.experimental import pallas as pl
from jax.experimental.pallas import tpu as pltpu
from jax.experimental.pallas import tpu_sc as plsc

_VOCAB = 1000000
_D = 64
_DP = 128
_MAX_LEN = 512
_BATCH = 4096
_SEQ = 200

_NC = 2
_NS = 16
_NW = _NC * _NS

_TOTAL_ROWS = _BATCH * _SEQ
_ROWS_PER_W = _TOTAL_ROWS // _NW
_CHUNK = 400
_IDXW = 80
_GSUB = _CHUNK // _IDXW
_NCHUNK = _ROWS_PER_W // _CHUNK


def _build_pe_np(max_len, d_model):
    pe = np.zeros((max_len, d_model), dtype=np.float32)
    position = np.arange(0, max_len, dtype=np.float32)[:, None]
    div_term = np.exp(
        np.arange(0, d_model, 2, dtype=np.float32) * (-math.log(10000.0) / d_model)
    )
    pe[:, 0::2] = np.sin(position * div_term)
    pe[:, 1::2] = np.cos(position * div_term)
    return pe


_PE2P = np.zeros((_CHUNK, _DP), dtype=np.float32)
_PE2P[:, :_D] = np.tile(_build_pe_np(_MAX_LEN, _D)[:_SEQ], (2, 1))


def _sc_body(ids_hbm, pe_hbm, table_hbm, out_hbm,
             pe_sh, idx0, idx1, rows0, rows1,
             sem_x0, sem_x1, sem_i0, sem_i1,
             sem_g0, sem_g1, sem_o0, sem_o1):
    wid = lax.axis_index("s") * _NC + lax.axis_index("c")
    row_base = wid * _ROWS_PER_W

    @pl.when(lax.axis_index("s") == 0)
    def _():
        pltpu.sync_copy(pe_hbm, pe_sh)

    plsc.subcore_barrier()

    idx = (idx0, idx1)
    rows = (rows0, rows1)
    sem_x = (sem_x0, sem_x1)
    sem_i = (sem_i0, sem_i1)
    sem_g = (sem_g0, sem_g1)
    sem_o = (sem_o0, sem_o1)

    def issue_stage(c, s):
        start = row_base + c * _CHUNK
        pltpu.async_copy(ids_hbm.at[pl.ds(start, _CHUNK)], idx[s], sem_x[s])
        pltpu.async_copy(pe_sh, rows[s], sem_i[s])

    def wait_issue(c, s):
        pltpu.make_async_copy(ids_hbm.at[pl.ds(0, _CHUNK)], idx[s], sem_x[s]).wait()
        pltpu.make_async_copy(pe_sh, rows[s], sem_i[s]).wait()

    def gather_stage(c, s):
        wait_issue(c, s)
        for j in range(_GSUB):
            pltpu.async_copy(
                table_hbm.at[idx[s].at[pl.ds(j * _IDXW, _IDXW)]],
                rows[s].at[pl.ds(j * _IDXW, _IDXW)],
                sem_g[s],
                add=True,
            )

    def out_stage(c, s):
        start = row_base + c * _CHUNK
        for j in range(_GSUB):
            pltpu.make_async_copy(
                table_hbm.at[idx[s].at[pl.ds(j * _IDXW, _IDXW)]],
                rows[s].at[pl.ds(j * _IDXW, _IDXW)],
                sem_g[s],
            ).wait()
        pltpu.async_copy(rows[s], out_hbm.at[pl.ds(start, _CHUNK)], sem_o[s])

    def wait_out(c, s):
        start = row_base + c * _CHUNK
        pltpu.make_async_copy(
            rows[s], out_hbm.at[pl.ds(start, _CHUNK)], sem_o[s]
        ).wait()

    issue_stage(0, 0)
    gather_stage(0, 0)
    issue_stage(1, 1)

    def pair_body(i, carry):
        c = 2 * i
        gather_stage(c + 1, 1)
        out_stage(c, 0)
        wait_out(c, 0)
        issue_stage(c + 2, 0)
        gather_stage(c + 2, 0)
        out_stage(c + 1, 1)
        wait_out(c + 1, 1)
        issue_stage(c + 3, 1)
        return carry

    lax.fori_loop(0, (_NCHUNK - 2) // 2, pair_body, 0)

    c_last = _NCHUNK - 2
    gather_stage(c_last + 1, 1)
    out_stage(c_last, 0)
    out_stage(c_last + 1, 1)
    wait_out(c_last, 0)
    wait_out(c_last + 1, 1)


_mesh = plsc.VectorSubcoreMesh(core_axis_name="c", subcore_axis_name="s")

_sc_call = pl.kernel(
    _sc_body,
    out_type=jax.ShapeDtypeStruct((_TOTAL_ROWS, _DP), jnp.float32),
    mesh=_mesh,
    scratch_types=[
        pltpu.VMEM_SHARED((_CHUNK, _DP), jnp.float32),
        pltpu.VMEM((_CHUNK,), jnp.int32),
        pltpu.VMEM((_CHUNK,), jnp.int32),
        pltpu.VMEM((_CHUNK, _DP), jnp.float32),
        pltpu.VMEM((_CHUNK, _DP), jnp.float32),
        pltpu.SemaphoreType.DMA,
        pltpu.SemaphoreType.DMA,
        pltpu.SemaphoreType.DMA,
        pltpu.SemaphoreType.DMA,
        pltpu.SemaphoreType.DMA,
        pltpu.SemaphoreType.DMA,
        pltpu.SemaphoreType.DMA,
        pltpu.SemaphoreType.DMA,
    ],
    compiler_params=pltpu.CompilerParams(use_tc_tiling_on_sc=True),
)


@jax.jit
def kernel(input_ids, token_table):
    ids = input_ids.reshape(_TOTAL_ROWS)
    tblp = jnp.pad(token_table, ((0, 0), (0, _DP - _D)))
    pe2p = jnp.asarray(_PE2P)
    out = _sc_call(ids, pe2p, tblp)
    return out[:, :_D].reshape(_BATCH, _SEQ, _D)

# --- scband reference (transcript-rebuilt; emitter-appended) ---
"""Pipeline reference for scband-embedding-with-position-69106023793002 (READ-ONLY COPY).

The authoritative reference and input builder live on the scoring server;
editing this copy changes nothing except your own understanding.
"""

import jax, jax.numpy as jnp
import numpy as np
import math

VOCAB = 1000000
D_MODEL = 64
MAX_LEN = 512
BATCH = 4096
SEQ_LEN = 200


def _build_pe(max_len, d_model):
    pe = np.zeros((max_len, d_model), dtype=np.float32)
    position = np.arange(0, max_len, dtype=np.float32)[:, None]
    div_term = np.exp(np.arange(0, d_model, 2, dtype=np.float32) * (-math.log(10000.0) / d_model))
    pe[:, 0::2] = np.sin(position * div_term)
    pe[:, 1::2] = np.cos(position * div_term)
    return jnp.asarray(pe)


def setup_inputs(seed: int = 0) -> dict:
    key = jax.random.key(seed)
    k1, k2 = jax.random.split(key)
    input_ids = jax.random.randint(k1, (BATCH, SEQ_LEN), 0, VOCAB, dtype=jnp.int32)
    token_table = jax.random.normal(k2, (VOCAB, D_MODEL), dtype=jnp.float32)
    return {"input_ids": input_ids, "token_table": token_table}


def reference(input_ids, token_table):
    seq_len = input_ids.shape[1]
    pe = _build_pe(MAX_LEN, D_MODEL)
    token_emb = jnp.take(token_table, input_ids, axis=0)
    pos_emb = pe[:seq_len][None, :, :]
    return token_emb + pos_emb

if __name__ == "__main__":
    import jax
    _d = setup_inputs()
    print(jax.jit(kernel)(*tuple(_d.values())))

</pallas_src>

<mosaic_0001>
#map = affine_map<(d0, d1) -> (0)>
#map1 = affine_map<(d0, d1) -> (0, 0)>
module attributes {stable_mosaic.version = 14 : i64} {
  func.func @_sc_body(%arg0: i32, %arg1: i32, %arg2: memref<819200xi32, #tpu.memory_space<hbm>>, %arg3: memref<400x128xf32, #tpu.memory_space<hbm>>, %arg4: memref<1000000x128xf32, #tpu.memory_space<hbm>>, %arg5: memref<819200x128xf32, #tpu.memory_space<hbm>>, %arg6: memref<400x128xf32, #tpu.memory_space<vmem_shared>>, %arg7: memref<400xi32, #tpu.memory_space<vmem>>, %arg8: memref<400xi32, #tpu.memory_space<vmem>>, %arg9: memref<400x128xf32, #tpu.memory_space<vmem>>, %arg10: memref<400x128xf32, #tpu.memory_space<vmem>>, %arg11: memref<!tpu.dma_semaphore, #tpu.memory_space<semaphore_mem>>, %arg12: memref<!tpu.dma_semaphore, #tpu.memory_space<semaphore_mem>>, %arg13: memref<!tpu.dma_semaphore, #tpu.memory_space<semaphore_mem>>, %arg14: memref<!tpu.dma_semaphore, #tpu.memory_space<semaphore_mem>>, %arg15: memref<!tpu.dma_semaphore, #tpu.memory_space<semaphore_mem>>, %arg16: memref<!tpu.dma_semaphore, #tpu.memory_space<semaphore_mem>>, %arg17: memref<!tpu.dma_semaphore, #tpu.memory_space<semaphore_mem>>, %arg18: memref<!tpu.dma_semaphore, #tpu.memory_space<semaphore_mem>>) attributes {dimension_semantics = [#tpu.dimension_semantics<core_parallel>, #tpu.dimension_semantics<subcore_parallel>], iteration_bounds = array<i64: 2, 16>, scalar_prefetch = 0 : i64, scratch_operands = 13 : i64, tpu.core_type = #tpu.core_type<sc_vector_subcore>, window_params = [{transform_indices = #map}, {transform_indices = #map1}, {transform_indices = #map1}, {transform_indices = #map1}]} {
    %mul3A = arith.constant 2 : i32
    %mul3A_0 = arith.muli %arg1, %mul3A : i32
    %add3A = arith.addi %mul3A_0, %arg0 : i32
    %mul3A_1 = arith.constant 25600 : i32
    %mul3A_2 = arith.muli %add3A, %mul3A_1 : i32
    %eq3A = arith.constant 0 : i32
    %eq3A_3 = arith.cmpi eq, %arg1, %eq3A : i32
    %convert_element_type3A = arith.extui %eq3A_3 : i1 to i32
    %cond3A = arith.constant 0 : i32
    %cond3A_4 = arith.cmpi ne, %convert_element_type3A, %cond3A : i32
    scf.if %cond3A_4 {
      "tpu.region"() ({
        %run_scoped3A = tpu.sem_alloc : memref<!tpu.dma_semaphore, #tpu.memory_space<semaphore_mem>>
        tpu.enqueue_dma source(%arg3 : memref<400x128xf32, #tpu.memory_space<hbm>>) target(%arg6 : memref<400x128xf32, #tpu.memory_space<vmem_shared>>) target_semaphore(%run_scoped3A : memref<!tpu.dma_semaphore, #tpu.memory_space<semaphore_mem>>)
        tpu.wait_dma2 semaphore(%run_scoped3A : memref<!tpu.dma_semaphore, #tpu.memory_space<semaphore_mem>>) src(%arg3 : memref<400x128xf32, #tpu.memory_space<hbm>>) dst(%arg6 : memref<400x128xf32, #tpu.memory_space<vmem_shared>>)
        tpu.yield
      }) : () -> ()
    } else {
    }
    %barrier3A = arith.constant 0 : index
    tpu.barrier barrier_id(%barrier3A)
    %add3A_5 = arith.constant 0 : i32
    %add3A_6 = arith.addi %mul3A_2, %add3A_5 : i32
    %dma_start3A = tpu.memref_slice %arg2[%add3A_6] : memref<819200xi32, #tpu.memory_space<hbm>> -> memref<400xi32, #tpu.memory_space<hbm>>
    %dma_start3A_7 = tpu.memref_slice %arg2[%add3A_6] : memref<819200xi32, #tpu.memory_space<hbm>> -> memref<400xi32, #tpu.memory_space<hbm>>
    tpu.enqueue_dma source(%dma_start3A_7 : memref<400xi32, #tpu.memory_space<hbm>>) target(%arg7 : memref<400xi32, #tpu.memory_space<vmem>>) target_semaphore(%arg11 : memref<!tpu.dma_semaphore, #tpu.memory_space<semaphore_mem>>)
    tpu.enqueue_dma source(%arg6 : memref<400x128xf32, #tpu.memory_space<vmem_shared>>) target(%arg9 : memref<400x128xf32, #tpu.memory_space<vmem>>) target_semaphore(%arg13 : memref<!tpu.dma_semaphore, #tpu.memory_space<semaphore_mem>>)
    %dma_wait3A = arith.constant 0 : i32
    %dma_wait3A_8 = tpu.memref_slice %arg2[%dma_wait3A] : memref<819200xi32, #tpu.memory_space<hbm>> -> memref<400xi32, #tpu.memory_space<hbm>>
    %dma_wait3A_9 = arith.constant 0 : i32
    %dma_wait3A_10 = tpu.memref_slice %arg2[%dma_wait3A_9] : memref<819200xi32, #tpu.memory_space<hbm>> -> memref<400xi32, #tpu.memory_space<hbm>>
    tpu.wait_dma2 semaphore(%arg11 : memref<!tpu.dma_semaphore, #tpu.memory_space<semaphore_mem>>) src(%dma_wait3A_10 : memref<400xi32, #tpu.memory_space<hbm>>) dst(%arg7 : memref<400xi32, #tpu.memory_space<vmem>>)
    tpu.wait_dma2 semaphore(%arg13 : memref<!tpu.dma_semaphore, #tpu.memory_space<semaphore_mem>>) src(%arg6 : memref<400x128xf32, #tpu.memory_space<vmem_shared>>) dst(%arg9 : memref<400x128xf32, #tpu.memory_space<vmem>>)
    %dma_start3A_11 = arith.constant 0 : i32
    %dma_start3A_12 = arith.constant 0 : i32
    %dma_start3A_13 = tpu.memref_slice %arg9[%dma_start3A_11, %dma_start3A_12] : memref<400x128xf32, #tpu.memory_space<vmem>> -> memref<80x128xf32, #tpu.memory_space<vmem>>
    %dma_start3A_14 = arith.constant 0 : i32
    %dma_start3A_15 = tpu.memref_slice %arg7[%dma_start3A_14] : memref<400xi32, #tpu.memory_space<vmem>> -> memref<80xi32, #tpu.memory_space<vmem>>
    %dma_start3A_16 = arith.constant 0 : i32
    %dma_start3A_17 = arith.constant 0 : i32
    %dma_start3A_18 = tpu.memref_slice %arg4[%dma_start3A_16, %dma_start3A_17] : memref<1000000x128xf32, #tpu.memory_space<hbm>> -> memref<1000000x128xf32, #tpu.memory_space<hbm>>
    tpu.enqueue_indirect_dma source(%dma_start3A_18 : memref<1000000x128xf32, #tpu.memory_space<hbm>>) target(%dma_start3A_13 : memref<80x128xf32, #tpu.memory_space<vmem>>) offsets(%dma_start3A_15 : memref<80xi32, #tpu.memory_space<vmem>>) semaphore(%arg15 : memref<!tpu.dma_semaphore, #tpu.memory_space<semaphore_mem>>) {add = true}
    %dma_start3A_19 = arith.constant 80 : i32
    %dma_start3A_20 = arith.constant 0 : i32
    %dma_start3A_21 = tpu.memref_slice %arg9[%dma_start3A_19, %dma_start3A_20] : memref<400x128xf32, #tpu.memory_space<vmem>> -> memref<80x128xf32, #tpu.memory_space<vmem>>
    %dma_start3A_22 = arith.constant 80 : i32
    %dma_start3A_23 = tpu.memref_slice %arg7[%dma_start3A_22] : memref<400xi32, #tpu.memory_space<vmem>> -> memref<80xi32, #tpu.memory_space<vmem>>
    %dma_start3A_24 = arith.constant 0 : i32
    %dma_start3A_25 = arith.constant 0 : i32
    %dma_start3A_26 = tpu.memref_slice %arg4[%dma_start3A_24, %dma_start3A_25] : memref<1000000x128xf32, #tpu.memory_space<hbm>> -> memref<1000000x128xf32, #tpu.memory_space<hbm>>
    tpu.enqueue_indirect_dma source(%dma_start3A_26 : memref<1000000x128xf32, #tpu.memory_space<hbm>>) target(%dma_start3A_21 : memref<80x128xf32, #tpu.memory_space<vmem>>) offsets(%dma_start3A_23 : memref<80xi32, #tpu.memory_space<vmem>>) semaphore(%arg15 : memref<!tpu.dma_semaphore, #tpu.memory_space<semaphore_mem>>) {add = true}
    %dma_start3A_27 = arith.constant 160 : i32
    %dma_start3A_28 = arith.constant 0 : i32
    %dma_start3A_29 = tpu.memref_slice %arg9[%dma_start3A_27, %dma_start3A_28] : memref<400x128xf32, #tpu.memory_space<vmem>> -> memref<80x128xf32, #tpu.memory_space<vmem>>
    %dma_start3A_30 = arith.constant 160 : i32
    %dma_start3A_31 = tpu.memref_slice %arg7[%dma_start3A_30] : memref<400xi32, #tpu.memory_space<vmem>> -> memref<80xi32, #tpu.memory_space<vmem>>
    %dma_start3A_32 = arith.constant 0 : i32
    %dma_start3A_33 = arith.constant 0 : i32
    %dma_start3A_34 = tpu.memref_slice %arg4[%dma_start3A_32, %dma_start3A_33] : memref<1000000x128xf32, #tpu.memory_space<hbm>> -> memref<1000000x128xf32, #tpu.memory_space<hbm>>
    tpu.enqueue_indirect_dma source(%dma_start3A_34 : memref<1000000x128xf32, #tpu.memory_space<hbm>>) target(%dma_start3A_29 : memref<80x128xf32, #tpu.memory_space<vmem>>) offsets(%dma_start3A_31 : memref<80xi32, #tpu.memory_space<vmem>>) semaphore(%arg15 : memref<!tpu.dma_semaphore, #tpu.memory_space<semaphore_mem>>) {add = true}
    %dma_start3A_35 = arith.constant 240 : i32
    %dma_start3A_36 = arith.constant 0 : i32
    %dma_start3A_37 = tpu.memref_slice %arg9[%dma_start3A_35, %dma_start3A_36] : memref<400x128xf32, #tpu.memory_space<vmem>> -> memref<80x128xf32, #tpu.memory_space<vmem>>
    %dma_start3A_38 = arith.constant 240 : i32
    %dma_start3A_39 = tpu.memref_slice %arg7[%dma_start3A_38] : memref<400xi32, #tpu.memory_space<vmem>> -> memref<80xi32, #tpu.memory_space<vmem>>
    %dma_start3A_40 = arith.constant 0 : i32
    %dma_start3A_41 = arith.constant 0 : i32
    %dma_start3A_42 = tpu.memref_slice %arg4[%dma_start3A_40, %dma_start3A_41] : memref<1000000x128xf32, #tpu.memory_space<hbm>> -> memref<1000000x128xf32, #tpu.memory_space<hbm>>
    tpu.enqueue_indirect_dma source(%dma_start3A_42 : memref<1000000x128xf32, #tpu.memory_space<hbm>>) target(%dma_start3A_37 : memref<80x128xf32, #tpu.memory_space<vmem>>) offsets(%dma_start3A_39 : memref<80xi32, #tpu.memory_space<vmem>>) semaphore(%arg15 : memref<!tpu.dma_semaphore, #tpu.memory_space<semaphore_mem>>) {add = true}
    %dma_start3A_43 = arith.constant 320 : i32
    %dma_start3A_44 = arith.constant 0 : i32
    %dma_start3A_45 = tpu.memref_slice %arg9[%dma_start3A_43, %dma_start3A_44] : memref<400x128xf32, #tpu.memory_space<vmem>> -> memref<80x128xf32, #tpu.memory_space<vmem>>
    %dma_start3A_46 = arith.constant 320 : i32
    %dma_start3A_47 = tpu.memref_slice %arg7[%dma_start3A_46] : memref<400xi32, #tpu.memory_space<vmem>> -> memref<80xi32, #tpu.memory_space<vmem>>
    %dma_start3A_48 = arith.constant 0 : i32
    %dma_start3A_49 = arith.constant 0 : i32
    %dma_start3A_50 = tpu.memref_slice %arg4[%dma_start3A_48, %dma_start3A_49] : memref<1000000x128xf32, #tpu.memory_space<hbm>> -> memref<1000000x128xf32, #tpu.memory_space<hbm>>
    tpu.enqueue_indirect_dma source(%dma_start3A_50 : memref<1000000x128xf32, #tpu.memory_space<hbm>>) target(%dma_start3A_45 : memref<80x128xf32, #tpu.memory_space<vmem>>) offsets(%dma_start3A_47 : memref<80xi32, #tpu.memory_space<vmem>>) semaphore(%arg15 : memref<!tpu.dma_semaphore, #tpu.memory_space<semaphore_mem>>) {add = true}
    %add3A_51 = arith.constant 400 : i32
    %add3A_52 = arith.addi %mul3A_2, %add3A_51 : i32
    %dma_start3A_53 = tpu.memref_slice %arg2[%add3A_52] : memref<819200xi32, #tpu.memory_space<hbm>> -> memref<400xi32, #tpu.memory_space<hbm>>
    %dma_start3A_54 = tpu.memref_slice %arg2[%add3A_52] : memref<819200xi32, #tpu.memory_space<hbm>> -> memref<400xi32, #tpu.memory_space<hbm>>
    tpu.enqueue_dma source(%dma_start3A_54 : memref<400xi32, #tpu.memory_space<hbm>>) target(%arg8 : memref<400xi32, #tpu.memory_space<vmem>>) target_semaphore(%arg12 : memref<!tpu.dma_semaphore, #tpu.memory_space<semaphore_mem>>)
    tpu.enqueue_dma source(%arg6 : memref<400x128xf32, #tpu.memory_space<vmem_shared>>) target(%arg10 : memref<400x128xf32, #tpu.memory_space<vmem>>) target_semaphore(%arg14 : memref<!tpu.dma_semaphore, #tpu.memory_space<semaphore_mem>>)
    %scan3A = arith.constant 0 : i32
    %scan3A_55 = arith.constant 0 : i32
    %scan3A_56 = arith.constant 31 : i32
    %scan3A_57 = arith.addi %scan3A_55, %scan3A_56 : i32
    %scan3A_58 = arith.constant 1 : i32
    scf.for %scan3A_208 = %scan3A_55 to %scan3A_57 step %scan3A_58  : i32 {
      %mul3A_209 = arith.constant 2 : i32
      %mul3A_210 = arith.muli %mul3A_209, %scan3A_208 : i32
      %add3A_211 = arith.constant 1 : i32
      %add3A_212 = arith.addi %mul3A_210, %add3A_211 : i32
      %dma_wait3A_213 = arith.constant 0 : i32
      %dma_wait3A_214 = tpu.memref_slice %arg2[%dma_wait3A_213] : memref<819200xi32, #tpu.memory_space<hbm>> -> memref<400xi32, #tpu.memory_space<hbm>>
      %dma_wait3A_215 = arith.constant 0 : i32
      %dma_wait3A_216 = tpu.memref_slice %arg2[%dma_wait3A_215] : memref<819200xi32, #tpu.memory_space<hbm>> -> memref<400xi32, #tpu.memory_space<hbm>>
      tpu.wait_dma2 semaphore(%arg12 : memref<!tpu.dma_semaphore, #tpu.memory_space<semaphore_mem>>) src(%dma_wait3A_216 : memref<400xi32, #tpu.memory_space<hbm>>) dst(%arg8 : memref<400xi32, #tpu.memory_space<vmem>>)
      tpu.wait_dma2 semaphore(%arg14 : memref<!tpu.dma_semaphore, #tpu.memory_space<semaphore_mem>>) src(%arg6 : memref<400x128xf32, #tpu.memory_space<vmem_shared>>) dst(%arg10 : memref<400x128xf32, #tpu.memory_space<vmem>>)
      %dma_start3A_217 = arith.constant 0 : i32
      %dma_start3A_218 = arith.constant 0 : i32
      %dma_start3A_219 = tpu.memref_slice %arg10[%dma_start3A_217, %dma_start3A_218] : memref<400x128xf32, #tpu.memory_space<vmem>> -> memref<80x128xf32, #tpu.memory_space<vmem>>
      %dma_start3A_220 = arith.constant 0 : i32
      %dma_start3A_221 = tpu.memref_slice %arg8[%dma_start3A_220] : memref<400xi32, #tpu.memory_space<vmem>> -> memref<80xi32, #tpu.memory_space<vmem>>
      %dma_start3A_222 = arith.constant 0 : i32
      %dma_start3A_223 = arith.constant 0 : i32
      %dma_start3A_224 = tpu.memref_slice %arg4[%dma_start3A_222, %dma_start3A_223] : memref<1000000x128xf32, #tpu.memory_space<hbm>> -> memref<1000000x128xf32, #tpu.memory_space<hbm>>
      tpu.enqueue_indirect_dma source(%dma_start3A_224 : memref<1000000x128xf32, #tpu.memory_space<hbm>>) target(%dma_start3A_219 : memref<80x128xf32, #tpu.memory_space<vmem>>) offsets(%dma_start3A_221 : memref<80xi32, #tpu.memory_space<vmem>>) semaphore(%arg16 : memref<!tpu.dma_semaphore, #tpu.memory_space<semaphore_mem>>) {add = true}
      %dma_start3A_225 = arith.constant 80 : i32
      %dma_start3A_226 = arith.constant 0 : i32
      %dma_start3A_227 = tpu.memref_slice %arg10[%dma_start3A_225, %dma_start3A_226] : memref<400x128xf32, #tpu.memory_space<vmem>> -> memref<80x128xf32, #tpu.memory_space<vmem>>
      %dma_start3A_228 = arith.constant 80 : i32
      %dma_start3A_229 = tpu.memref_slice %arg8[%dma_start3A_228] : memref<400xi32, #tpu.memory_space<vmem>> -> memref<80xi32, #tpu.memory_space<vmem>>
      %dma_start3A_230 = arith.constant 0 : i32
      %dma_start3A_231 = arith.constant 0 : i32
      %dma_start3A_232 = tpu.memref_slice %arg4[%dma_start3A_230, %dma_start3A_231] : memref<1000000x128xf32, #tpu.memory_space<hbm>> -> memref<1000000x128xf32, #tpu.memory_space<hbm>>
      tpu.enqueue_indirect_dma source(%dma_start3A_232 : memref<1000000x128xf32, #tpu.memory_space<hbm>>) target(%dma_start3A_227 : memref<80x128xf32, #tpu.memory_space<vmem>>) offsets(%dma_start3A_229 : memref<80xi32, #tpu.memory_space<vmem>>) semaphore(%arg16 : memref<!tpu.dma_semaphore, #tpu.memory_space<semaphore_mem>>) {add = true}
      %dma_start3A_233 = arith.constant 160 : i32
      %dma_start3A_234 = arith.constant 0 : i32
      %dma_start3A_235 = tpu.memref_slice %arg10[%dma_start3A_233, %dma_start3A_234] : memref<400x128xf32, #tpu.memory_space<vmem>> -> memref<80x128xf32, #tpu.memory_space<vmem>>
      %dma_start3A_236 = arith.constant 160 : i32
      %dma_start3A_237 = tpu.memref_slice %arg8[%dma_start3A_236] : memref<400xi32, #tpu.memory_space<vmem>> -> memref<80xi32, #tpu.memory_space<vmem>>
      %dma_start3A_238 = arith.constant 0 : i32
      %dma_start3A_239 = arith.constant 0 : i32
      %dma_start3A_240 = tpu.memref_slice %arg4[%dma_start3A_238, %dma_start3A_239] : memref<1000000x128xf32, #tpu.memory_space<hbm>> -> memref<1000000x128xf32, #tpu.memory_space<hbm>>
      tpu.enqueue_indirect_dma source(%dma_start3A_240 : memref<1000000x128xf32, #tpu.memory_space<hbm>>) target(%dma_start3A_235 : memref<80x128xf32, #tpu.memory_space<vmem>>) offsets(%dma_start3A_237 : memref<80xi32, #tpu.memory_space<vmem>>) semaphore(%arg16 : memref<!tpu.dma_semaphore, #tpu.memory_space<semaphore_mem>>) {add = true}
      %dma_start3A_241 = arith.constant 240 : i32
      %dma_start3A_242 = arith.constant 0 : i32
      %dma_start3A_243 = tpu.memref_slice %arg10[%dma_start3A_241, %dma_start3A_242] : memref<400x128xf32, #tpu.memory_space<vmem>> -> memref<80x128xf32, #tpu.memory_space<vmem>>
      %dma_start3A_244 = arith.constant 240 : i32
      %dma_start3A_245 = tpu.memref_slice %arg8[%dma_start3A_244] : memref<400xi32, #tpu.memory_space<vmem>> -> memref<80xi32, #tpu.memory_space<vmem>>
      %dma_start3A_246 = arith.constant 0 : i32
      %dma_start3A_247 = arith.constant 0 : i32
      %dma_start3A_248 = tpu.memref_slice %arg4[%dma_start3A_246, %dma_start3A_247] : memref<1000000x128xf32, #tpu.memory_space<hbm>> -> memref<1000000x128xf32, #tpu.memory_space<hbm>>
      tpu.enqueue_indirect_dma source(%dma_start3A_248 : memref<1000000x128xf32, #tpu.memory_space<hbm>>) target(%dma_start3A_243 : memref<80x128xf32, #tpu.memory_space<vmem>>) offsets(%dma_start3A_245 : memref<80xi32, #tpu.memory_space<vmem>>) semaphore(%arg16 : memref<!tpu.dma_semaphore, #tpu.memory_space<semaphore_mem>>) {add = true}
      %dma_start3A_249 = arith.constant 320 : i32
      %dma_start3A_250 = arith.constant 0 : i32
      %dma_start3A_251 = tpu.memref_slice %arg10[%dma_start3A_249, %dma_start3A_250] : memref<400x128xf32, #tpu.memory_space<vmem>> -> memref<80x128xf32, #tpu.memory_space<vmem>>
      %dma_start3A_252 = arith.constant 320 : i32
      %dma_start3A_253 = tpu.memref_slice %arg8[%dma_start3A_252] : memref<400xi32, #tpu.memory_space<vmem>> -> memref<80xi32, #tpu.memory_space<vmem>>
      %dma_start3A_254 = arith.constant 0 : i32
      %dma_start3A_255 = arith.constant 0 : i32
      %dma_start3A_256 = tpu.memref_slice %arg4[%dma_start3A_254, %dma_start3A_255] : memref<1000000x128xf32, #tpu.memory_space<hbm>> -> memref<1000000x128xf32, #tpu.memory_space<hbm>>
      tpu.enqueue_indirect_dma source(%dma_start3A_256 : memref<1000000x128xf32, #tpu.memory_space<hbm>>) target(%dma_start3A_251 : memref<80x128xf32, #tpu.memory_space<vmem>>) offsets(%dma_start3A_253 : memref<80xi32, #tpu.memory_space<vmem>>) semaphore(%arg16 : memref<!tpu.dma_semaphore, #tpu.memory_space<semaphore_mem>>) {add = true}
      %mul3A_257 = arith.constant 400 : i32
      %mul3A_258 = arith.muli %mul3A_210, %mul3A_257 : i32
      %add3A_259 = arith.addi %mul3A_2, %mul3A_258 : i32
      %dma_wait3A_260 = arith.constant 0 : i32
      %dma_wait3A_261 = arith.constant 0 : i32
      %dma_wait3A_262 = tpu.memref_slice %arg9[%dma_wait3A_260, %dma_wait3A_261] : memref<400x128xf32, #tpu.memory_space<vmem>> -> memref<80x128xf32, #tpu.memory_space<vmem>>
      %dma_wait3A_263 = arith.constant 0 : i32
      %dma_wait3A_264 = tpu.memref_slice %arg7[%dma_wait3A_263] : memref<400xi32, #tpu.memory_space<vmem>> -> memref<80xi32, #tpu.memory_space<vmem>>
      %dma_wait3A_265 = arith.constant 0 : i32
      %dma_wait3A_266 = arith.constant 0 : i32
      %dma_wait3A_267 = tpu.memref_slice %arg4[%dma_wait3A_265, %dma_wait3A_266] : memref<1000000x128xf32, #tpu.memory_space<hbm>> -> memref<1000000x128xf32, #tpu.memory_space<hbm>>
      tpu.wait_indirect_dma semaphore(%arg15 : memref<!tpu.dma_semaphore, #tpu.memory_space<semaphore_mem>>) src(%dma_wait3A_267 : memref<1000000x128xf32, #tpu.memory_space<hbm>>) dst(%dma_wait3A_262 : memref<80x128xf32, #tpu.memory_space<vmem>>)
      %dma_wait3A_268 = arith.constant 80 : i32
      %dma_wait3A_269 = arith.constant 0 : i32
      %dma_wait3A_270 = tpu.memref_slice %arg9[%dma_wait3A_268, %dma_wait3A_269] : memref<400x128xf32, #tpu.memory_space<vmem>> -> memref<80x128xf32, #tpu.memory_space<vmem>>
      %dma_wait3A_271 = arith.constant 80 : i32
      %dma_wait3A_272 = tpu.memref_slice %arg7[%dma_wait3A_271] : memref<400xi32, #tpu.memory_space<vmem>> -> memref<80xi32, #tpu.memory_space<vmem>>
      %dma_wait3A_273 = arith.constant 0 : i32
      %dma_wait3A_274 = arith.constant 0 : i32
      %dma_wait3A_275 = tpu.memref_slice %arg4[%dma_wait3A_273, %dma_wait3A_274] : memref<1000000x128xf32, #tpu.memory_space<hbm>> -> memref<1000000x128xf32, #tpu.memory_space<hbm>>
      tpu.wait_indirect_dma semaphore(%arg15 : memref<!tpu.dma_semaphore, #tpu.memory_space<semaphore_mem>>) src(%dma_wait3A_275 : memref<1000000x128xf32, #tpu.memory_space<hbm>>) dst(%dma_wait3A_270 : memref<80x128xf32, #tpu.memory_space<vmem>>)
      %dma_wait3A_276 = arith.constant 160 : i32
      %dma_wait3A_277 = arith.constant 0 : i32
      %dma_wait3A_278 = tpu.memref_slice %arg9[%dma_wait3A_276, %dma_wait3A_277] : memref<400x128xf32, #tpu.memory_space<vmem>> -> memref<80x128xf32, #tpu.memory_space<vmem>>
      %dma_wait3A_279 = arith.constant 160 : i32
      %dma_wait3A_280 = tpu.memref_slice %arg7[%dma_wait3A_279] : memref<400xi32, #tpu.memory_space<vmem>> -> memref<80xi32, #tpu.memory_space<vmem>>
      %dma_wait3A_281 = arith.constant 0 : i32
      %dma_wait3A_282 = arith.constant 0 : i32
      %dma_wait3A_283 = tpu.memref_slice %arg4[%dma_wait3A_281, %dma_wait3A_282] : memref<1000000x128xf32, #tpu.memory_space<hbm>> -> memref<1000000x128xf32, #tpu.memory_space<hbm>>
      tpu.wait_indirect_dma semaphore(%arg15 : memref<!tpu.dma_semaphore, #tpu.memory_space<semaphore_mem>>) src(%dma_wait3A_283 : memref<1000000x128xf32, #tpu.memory_space<hbm>>) dst(%dma_wait3A_278 : memref<80x128xf32, #tpu.memory_space<vmem>>)
      %dma_wait3A_284 = arith.constant 240 : i32
      %dma_wait3A_285 = arith.constant 0 : i32
      %dma_wait3A_286 = tpu.memref_slice %arg9[%dma_wait3A_284, %dma_wait3A_285] : memref<400x128xf32, #tpu.memory_space<vmem>> -> memref<80x128xf32, #tpu.memory_space<vmem>>
      %dma_wait3A_287 = arith.constant 240 : i32
      %dma_wait3A_288 = tpu.memref_slice %arg7[%dma_wait3A_287] : memref<400xi32, #tpu.memory_space<vmem>> -> memref<80xi32, #tpu.memory_space<vmem>>
      %dma_wait3A_289 = arith.constant 0 : i32
      %dma_wait3A_290 = arith.constant 0 : i32
      %dma_wait3A_291 = tpu.memref_slice %arg4[%dma_wait3A_289, %dma_wait3A_290] : memref<1000000x128xf32, #tpu.memory_space<hbm>> -> memref<1000000x128xf32, #tpu.memory_space<hbm>>
      tpu.wait_indirect_dma semaphore(%arg15 : memref<!tpu.dma_semaphore, #tpu.memory_space<semaphore_mem>>) src(%dma_wait3A_291 : memref<1000000x128xf32, #tpu.memory_space<hbm>>) dst(%dma_wait3A_286 : memref<80x128xf32, #tpu.memory_space<vmem>>)
      %dma_wait3A_292 = arith.constant 320 : i32
      %dma_wait3A_293 = arith.constant 0 : i32
      %dma_wait3A_294 = tpu.memref_slice %arg9[%dma_wait3A_292, %dma_wait3A_293] : memref<400x128xf32, #tpu.memory_space<vmem>> -> memref<80x128xf32, #tpu.memory_space<vmem>>
      %dma_wait3A_295 = arith.constant 320 : i32
      %dma_wait3A_296 = tpu.memref_slice %arg7[%dma_wait3A_295] : memref<400xi32, #tpu.memory_space<vmem>> -> memref<80xi32, #tpu.memory_space<vmem>>
      %dma_wait3A_297 = arith.constant 0 : i32
      %dma_wait3A_298 = arith.constant 0 : i32
      %dma_wait3A_299 = tpu.memref_slice %arg4[%dma_wait3A_297, %dma_wait3A_298] : memref<1000000x128xf32, #tpu.memory_space<hbm>> -> memref<1000000x128xf32, #tpu.memory_space<hbm>>
      tpu.wait_indirect_dma semaphore(%arg15 : memref<!tpu.dma_semaphore, #tpu.memory_space<semaphore_mem>>) src(%dma_wait3A_299 : memref<1000000x128xf32, #tpu.memory_space<hbm>>) dst(%dma_wait3A_294 : memref<80x128xf32, #tpu.memory_space<vmem>>)
      %dma_start3A_300 = arith.constant 0 : i32
      %dma_start3A_301 = tpu.memref_slice %arg5[%add3A_259, %dma_start3A_300] : memref<819200x128xf32, #tpu.memory_space<hbm>> -> memref<400x128xf32, #tpu.memory_space<hbm>>
      %dma_start3A_302 = arith.constant 0 : i32
      %dma_start3A_303 = tpu.memref_slice %arg5[%add3A_259, %dma_start3A_302] : memref<819200x128xf32, #tpu.memory_space<hbm>> -> memref<400x128xf32, #tpu.memory_space<hbm>>
      tpu.enqueue_dma source(%arg9 : memref<400x128xf32, #tpu.memory_space<vmem>>) target(%dma_start3A_303 : memref<400x128xf32, #tpu.memory_space<hbm>>) target_semaphore(%arg17 : memref<!tpu.dma_semaphore, #tpu.memory_space<semaphore_mem>>)
      %mul3A_304 = arith.constant 400 : i32
      %mul3A_305 = arith.muli %mul3A_210, %mul3A_304 : i32
      %add3A_306 = arith.addi %mul3A_2, %mul3A_305 : i32
      %dma_wait3A_307 = arith.constant 0 : i32
      %dma_wait3A_308 = tpu.memref_slice %arg5[%add3A_306, %dma_wait3A_307] : memref<819200x128xf32, #tpu.memory_space<hbm>> -> memref<400x128xf32, #tpu.memory_space<hbm>>
      %dma_wait3A_309 = arith.constant 0 : i32
      %dma_wait3A_310 = tpu.memref_slice %arg5[%add3A_306, %dma_wait3A_309] : memref<819200x128xf32, #tpu.memory_space<hbm>> -> memref<400x128xf32, #tpu.memory_space<hbm>>
      tpu.wait_dma2 semaphore(%arg17 : memref<!tpu.dma_semaphore, #tpu.memory_space<semaphore_mem>>) src(%arg9 : memref<400x128xf32, #tpu.memory_space<vmem>>) dst(%dma_wait3A_310 : memref<400x128xf32, #tpu.memory_space<hbm>>)
      %add3A_311 = arith.constant 2 : i32
      %add3A_312 = arith.addi %mul3A_210, %add3A_311 : i32
      %mul3A_313 = arith.constant 400 : i32
      %mul3A_314 = arith.muli %add3A_312, %mul3A_313 : i32
      %add3A_315 = arith.addi %mul3A_2, %mul3A_314 : i32
      %dma_start3A_316 = tpu.memref_slice %arg2[%add3A_315] : memref<819200xi32, #tpu.memory_space<hbm>> -> memref<400xi32, #tpu.memory_space<hbm>>
      %dma_start3A_317 = tpu.memref_slice %arg2[%add3A_315] : memref<819200xi32, #tpu.memory_space<hbm>> -> memref<400xi32, #tpu.memory_space<hbm>>
      tpu.enqueue_dma source(%dma_start3A_317 : memref<400xi32, #tpu.memory_space<hbm>>) target(%arg7 : memref<400xi32, #tpu.memory_space<vmem>>) target_semaphore(%arg11 : memref<!tpu.dma_semaphore, #tpu.memory_space<semaphore_mem>>)
      tpu.enqueue_dma source(%arg6 : memref<400x128xf32, #tpu.memory_space<vmem_shared>>) target(%arg9 : memref<400x128xf32, #tpu.memory_space<vmem>>) target_semaphore(%arg13 : memref<!tpu.dma_semaphore, #tpu.memory_space<semaphore_mem>>)
      %add3A_318 = arith.constant 2 : i32
      %add3A_319 = arith.addi %mul3A_210, %add3A_318 : i32
      %dma_wait3A_320 = arith.constant 0 : i32
      %dma_wait3A_321 = tpu.memref_slice %arg2[%dma_wait3A_320] : memref<819200xi32, #tpu.memory_space<hbm>> -> memref<400xi32, #tpu.memory_space<hbm>>
      %dma_wait3A_322 = arith.constant 0 : i32
      %dma_wait3A_323 = tpu.memref_slice %arg2[%dma_wait3A_322] : memref<819200xi32, #tpu.memory_space<hbm>> -> memref<400xi32, #tpu.memory_space<hbm>>
      tpu.wait_dma2 semaphore(%arg11 : memref<!tpu.dma_semaphore, #tpu.memory_space<semaphore_mem>>) src(%dma_wait3A_323 : memref<400xi32, #tpu.memory_space<hbm>>) dst(%arg7 : memref<400xi32, #tpu.memory_space<vmem>>)
      tpu.wait_dma2 semaphore(%arg13 : memref<!tpu.dma_semaphore, #tpu.memory_space<semaphore_mem>>) src(%arg6 : memref<400x128xf32, #tpu.memory_space<vmem_shared>>) dst(%arg9 : memref<400x128xf32, #tpu.memory_space<vmem>>)
      %dma_start3A_324 = arith.constant 0 : i32
      %dma_start3A_325 = arith.constant 0 : i32
      %dma_start3A_326 = tpu.memref_slice %arg9[%dma_start3A_324, %dma_start3A_325] : memref<400x128xf32, #tpu.memory_space<vmem>> -> memref<80x128xf32, #tpu.memory_space<vmem>>
      %dma_start3A_327 = arith.constant 0 : i32
      %dma_start3A_328 = tpu.memref_slice %arg7[%dma_start3A_327] : memref<400xi32, #tpu.memory_space<vmem>> -> memref<80xi32, #tpu.memory_space<vmem>>
      %dma_start3A_329 = arith.constant 0 : i32
      %dma_start3A_330 = arith.constant 0 : i32
      %dma_start3A_331 = tpu.memref_slice %arg4[%dma_start3A_329, %dma_start3A_330] : memref<1000000x128xf32, #tpu.memory_space<hbm>> -> memref<1000000x128xf32, #tpu.memory_space<hbm>>
      tpu.enqueue_indirect_dma source(%dma_start3A_331 : memref<1000000x128xf32, #tpu.memory_space<hbm>>) target(%dma_start3A_326 : memref<80x128xf32, #tpu.memory_space<vmem>>) offsets(%dma_start3A_328 : memref<80xi32, #tpu.memory_space<vmem>>) semaphore(%arg15 : memref<!tpu.dma_semaphore, #tpu.memory_space<semaphore_mem>>) {add = true}
      %dma_start3A_332 = arith.constant 80 : i32
      %dma_start3A_333 = arith.constant 0 : i32
      %dma_start3A_334 = tpu.memref_slice %arg9[%dma_start3A_332, %dma_start3A_333] : memref<400x128xf32, #tpu.memory_space<vmem>> -> memref<80x128xf32, #tpu.memory_space<vmem>>
      %dma_start3A_335 = arith.constant 80 : i32
      %dma_start3A_336 = tpu.memref_slice %arg7[%dma_start3A_335] : memref<400xi32, #tpu.memory_space<vmem>> -> memref<80xi32, #tpu.memory_space<vmem>>
      %dma_start3A_337 = arith.constant 0 : i32
      %dma_start3A_338 = arith.constant 0 : i32
      %dma_start3A_339 = tpu.memref_slice %arg4[%dma_start3A_337, %dma_start3A_338] : memref<1000000x128xf32, #tpu.memory_space<hbm>> -> memref<1000000x128xf32, #tpu.memory_space<hbm>>
      tpu.enqueue_indirect_dma source(%dma_start3A_339 : memref<1000000x128xf32, #tpu.memory_space<hbm>>) target(%dma_start3A_334 : memref<80x128xf32, #tpu.memory_space<vmem>>) offsets(%dma_start3A_336 : memref<80xi32, #tpu.memory_space<vmem>>) semaphore(%arg15 : memref<!tpu.dma_semaphore, #tpu.memory_space<semaphore_mem>>) {add = true}
      %dma_start3A_340 = arith.constant 160 : i32
      %dma_start3A_341 = arith.constant 0 : i32
      %dma_start3A_342 = tpu.memref_slice %arg9[%dma_start3A_340, %dma_start3A_341] : memref<400x128xf32, #tpu.memory_space<vmem>> -> memref<80x128xf32, #tpu.memory_space<vmem>>
      %dma_start3A_343 = arith.constant 160 : i32
      %dma_start3A_344 = tpu.memref_slice %arg7[%dma_start3A_343] : memref<400xi32, #tpu.memory_space<vmem>> -> memref<80xi32, #tpu.memory_space<vmem>>
      %dma_start3A_345 = arith.constant 0 : i32
      %dma_start3A_346 = arith.constant 0 : i32
      %dma_start3A_347 = tpu.memref_slice %arg4[%dma_start3A_345, %dma_start3A_346] : memref<1000000x128xf32, #tpu.memory_space<hbm>> -> memref<1000000x128xf32, #tpu.memory_space<hbm>>
      tpu.enqueue_indirect_dma source(%dma_start3A_347 : memref<1000000x128xf32, #tpu.memory_space<hbm>>) target(%dma_start3A_342 : memref<80x128xf32, #tpu.memory_space<vmem>>) offsets(%dma_start3A_344 : memref<80xi32, #tpu.memory_space<vmem>>) semaphore(%arg15 : memref<!tpu.dma_semaphore, #tpu.memory_space<semaphore_mem>>) {add = true}
      %dma_start3A_348 = arith.constant 240 : i32
      %dma_start3A_349 = arith.constant 0 : i32
      %dma_start3A_350 = tpu.memref_slice %arg9[%dma_start3A_348, %dma_start3A_349] : memref<400x128xf32, #tpu.memory_space<vmem>> -> memref<80x128xf32, #tpu.memory_space<vmem>>
      %dma_start3A_351 = arith.constant 240 : i32
      %dma_start3A_352 = tpu.memref_slice %arg7[%dma_start3A_351] : memref<400xi32, #tpu.memory_space<vmem>> -> memref<80xi32, #tpu.memory_space<vmem>>
      %dma_start3A_353 = arith.constant 0 : i32
      %dma_start3A_354 = arith.constant 0 : i32
      %dma_start3A_355 = tpu.memref_slice %arg4[%dma_start3A_353, %dma_start3A_354] : memref<1000000x128xf32, #tpu.memory_space<hbm>> -> memref<1000000x128xf32, #tpu.memory_space<hbm>>
      tpu.enqueue_indirect_dma source(%dma_start3A_355 : memref<1000000x128xf32, #tpu.memory_space<hbm>>) target(%dma_start3A_350 : memref<80x128xf32, #tpu.memory_space<vmem>>) offsets(%dma_start3A_352 : memref<80xi32, #tpu.memory_space<vmem>>) semaphore(%arg15 : memref<!tpu.dma_semaphore, #tpu.memory_space<semaphore_mem>>) {add = true}
      %dma_start3A_356 = arith.constant 320 : i32
      %dma_start3A_357 = arith.constant 0 : i32
      %dma_start3A_358 = tpu.memref_slice %arg9[%dma_start3A_356, %dma_start3A_357] : memref<400x128xf32, #tpu.memory_space<vmem>> -> memref<80x128xf32, #tpu.memory_space<vmem>>
      %dma_start3A_359 = arith.constant 320 : i32
      %dma_start3A_360 = tpu.memref_slice %arg7[%dma_start3A_359] : memref<400xi32, #tpu.memory_space<vmem>> -> memref<80xi32, #tpu.memory_space<vmem>>
      %dma_start3A_361 = arith.constant 0 : i32
      %dma_start3A_362 = arith.constant 0 : i32
      %dma_start3A_363 = tpu.memref_slice %arg4[%dma_start3A_361, %dma_start3A_362] : memref<1000000x128xf32, #tpu.memory_space<hbm>> -> memref<1000000x128xf32, #tpu.memory_space<hbm>>
      tpu.enqueue_indirect_dma source(%dma_start3A_363 : memref<1000000x128xf32, #tpu.memory_space<hbm>>) target(%dma_start3A_358 : memref<80x128xf32, #tpu.memory_space<vmem>>) offsets(%dma_start3A_360 : memref<80xi32, #tpu.memory_space<vmem>>) semaphore(%arg15 : memref<!tpu.dma_semaphore, #tpu.memory_space<semaphore_mem>>) {add = true}
      %add3A_364 = arith.constant 1 : i32
      %add3A_365 = arith.addi %mul3A_210, %add3A_364 : i32
      %mul3A_366 = arith.constant 400 : i32
      %mul3A_367 = arith.muli %add3A_365, %mul3A_366 : i32
      %add3A_368 = arith.addi %mul3A_2, %mul3A_367 : i32
      %dma_wait3A_369 = arith.constant 0 : i32
      %dma_wait3A_370 = arith.constant 0 : i32
      %dma_wait3A_371 = tpu.memref_slice %arg10[%dma_wait3A_369, %dma_wait3A_370] : memref<400x128xf32, #tpu.memory_space<vmem>> -> memref<80x128xf32, #tpu.memory_space<vmem>>
      %dma_wait3A_372 = arith.constant 0 : i32
      %dma_wait3A_373 = tpu.memref_slice %arg8[%dma_wait3A_372] : memref<400xi32, #tpu.memory_space<vmem>> -> memref<80xi32, #tpu.memory_space<vmem>>
      %dma_wait3A_374 = arith.constant 0 : i32
      %dma_wait3A_375 = arith.constant 0 : i32
      %dma_wait3A_376 = tpu.memref_slice %arg4[%dma_wait3A_374, %dma_wait3A_375] : memref<1000000x128xf32, #tpu.memory_space<hbm>> -> memref<1000000x128xf32, #tpu.memory_space<hbm>>
      tpu.wait_indirect_dma semaphore(%arg16 : memref<!tpu.dma_semaphore, #tpu.memory_space<semaphore_mem>>) src(%dma_wait3A_376 : memref<1000000x128xf32, #tpu.memory_space<hbm>>) dst(%dma_wait3A_371 : memref<80x128xf32, #tpu.memory_space<vmem>>)
      %dma_wait3A_377 = arith.constant 80 : i32
      %dma_wait3A_378 = arith.constant 0 : i32
      %dma_wait3A_379 = tpu.memref_slice %arg10[%dma_wait3A_377, %dma_wait3A_378] : memref<400x128xf32, #tpu.memory_space<vmem>> -> memref<80x128xf32, #tpu.memory_space<vmem>>
      %dma_wait3A_380 = arith.constant 80 : i32
      %dma_wait3A_381 = tpu.memref_slice %arg8[%dma_wait3A_380] : memref<400xi32, #tpu.memory_space<vmem>> -> memref<80xi32, #tpu.memory_space<vmem>>
      %dma_wait3A_382 = arith.constant 0 : i32
      %dma_wait3A_383 = arith.constant 0 : i32
      %dma_wait3A_384 = tpu.memref_slice %arg4[%dma_wait3A_382, %dma_wait3A_383] : memref<1000000x128xf32, #tpu.memory_space<hbm>> -> memref<1000000x128xf32, #tpu.memory_space<hbm>>
      tpu.wait_indirect_dma semaphore(%arg16 : memref<!tpu.dma_semaphore, #tpu.memory_space<semaphore_mem>>) src(%dma_wait3A_384 : memref<1000000x128xf32, #tpu.memory_space<hbm>>) dst(%dma_wait3A_379 : memref<80x128xf32, #tpu.memory_space<vmem>>)
      %dma_wait3A_385 = arith.constant 160 : i32
      %dma_wait3A_386 = arith.constant 0 : i32
      %dma_wait3A_387 = tpu.memref_slice %arg10[%dma_wait3A_385, %dma_wait3A_386] : memref<400x128xf32, #tpu.memory_space<vmem>> -> memref<80x128xf32, #tpu.memory_space<vmem>>
      %dma_wait3A_388 = arith.constant 160 : i32
      %dma_wait3A_389 = tpu.memref_slice %arg8[%dma_wait3A_388] : memref<400xi32, #tpu.memory_space<vmem>> -> memref<80xi32, #tpu.memory_space<vmem>>
      %dma_wait3A_390 = arith.constant 0 : i32
      %dma_wait3A_391 = arith.constant 0 : i32
      %dma_wait3A_392 = tpu.memref_slice %arg4[%dma_wait3A_390, %dma_wait3A_391] : memref<1000000x128xf32, #tpu.memory_space<hbm>> -> memref<1000000x128xf32, #tpu.memory_space<hbm>>
      tpu.wait_indirect_dma semaphore(%arg16 : memref<!tpu.dma_semaphore, #tpu.memory_space<semaphore_mem>>) src(%dma_wait3A_392 : memref<1000000x128xf32, #tpu.memory_space<hbm>>) dst(%dma_wait3A_387 : memref<80x128xf32, #tpu.memory_space<vmem>>)
      %dma_wait3A_393 = arith.constant 240 : i32
      %dma_wait3A_394 = arith.constant 0 : i32
      %dma_wait3A_395 = tpu.memref_slice %arg10[%dma_wait3A_393, %dma_wait3A_394] : memref<400x128xf32, #tpu.memory_space<vmem>> -> memref<80x128xf32, #tpu.memory_space<vmem>>
      %dma_wait3A_396 = arith.constant 240 : i32
      %dma_wait3A_397 = tpu.memref_slice %arg8[%dma_wait3A_396] : memref<400xi32, #tpu.memory_space<vmem>> -> memref<80xi32, #tpu.memory_space<vmem>>
      %dma_wait3A_398 = arith.constant 0 : i32
      %dma_wait3A_399 = arith.constant 0 : i32
      %dma_wait3A_400 = tpu.memref_slice %arg4[%dma_wait3A_398, %dma_wait3A_399] : memref<1000000x128xf32, #tpu.memory_space<hbm>> -> memref<1000000x128xf32, #tpu.memory_space<hbm>>
      tpu.wait_indirect_dma semaphore(%arg16 : memref<!tpu.dma_semaphore, #tpu.memory_space<semaphore_mem>>) src(%dma_wait3A_400 : memref<1000000x128xf32, #tpu.memory_space<hbm>>) dst(%dma_wait3A_395 : memref<80x128xf32, #tpu.memory_space<vmem>>)
      %dma_wait3A_401 = arith.constant 320 : i32
      %dma_wait3A_402 = arith.constant 0 : i32
      %dma_wait3A_403 = tpu.memref_slice %arg10[%dma_wait3A_401, %dma_wait3A_402] : memref<400x128xf32, #tpu.memory_space<vmem>> -> memref<80x128xf32, #tpu.memory_space<vmem>>
      %dma_wait3A_404 = arith.constant 320 : i32
      %dma_wait3A_405 = tpu.memref_slice %arg8[%dma_wait3A_404] : memref<400xi32, #tpu.memory_space<vmem>> -> memref<80xi32, #tpu.memory_space<vmem>>
      %dma_wait3A_406 = arith.constant 0 : i32
      %dma_wait3A_407 = arith.constant 0 : i32
      %dma_wait3A_408 = tpu.memref_slice %arg4[%dma_wait3A_406, %dma_wait3A_407] : memref<1000000x128xf32, #tpu.memory_space<hbm>> -> memref<1000000x128xf32, #tpu.memory_space<hbm>>
      tpu.wait_indirect_dma semaphore(%arg16 : memref<!tpu.dma_semaphore, #tpu.memory_space<semaphore_mem>>) src(%dma_wait3A_408 : memref<1000000x128xf32, #tpu.memory_space<hbm>>) dst(%dma_wait3A_403 : memref<80x128xf32, #tpu.memory_space<vmem>>)
      %dma_start3A_409 = arith.constant 0 : i32
      %dma_start3A_410 = tpu.memref_slice %arg5[%add3A_368, %dma_start3A_409] : memref<819200x128xf32, #tpu.memory_space<hbm>> -> memref<400x128xf32, #tpu.memory_space<hbm>>
      %dma_start3A_411 = arith.constant 0 : i32
      %dma_start3A_412 = tpu.memref_slice %arg5[%add3A_368, %dma_start3A_411] : memref<819200x128xf32, #tpu.memory_space<hbm>> -> memref<400x128xf32, #tpu.memory_space<hbm>>
      tpu.enqueue_dma source(%arg10 : memref<400x128xf32, #tpu.memory_space<vmem>>) target(%dma_start3A_412 : memref<400x128xf32, #tpu.memory_space<hbm>>) target_semaphore(%arg18 : memref<!tpu.dma_semaphore, #tpu.memory_space<semaphore_mem>>)
      %add3A_413 = arith.constant 1 : i32
      %add3A_414 = arith.addi %mul3A_210, %add3A_413 : i32
      %mul3A_415 = arith.constant 400 : i32
      %mul3A_416 = arith.muli %add3A_414, %mul3A_415 : i32
      %add3A_417 = arith.addi %mul3A_2, %mul3A_416 : i32
      %dma_wait3A_418 = arith.constant 0 : i32
      %dma_wait3A_419 = tpu.memref_slice %arg5[%add3A_417, %dma_wait3A_418] : memref<819200x128xf32, #tpu.memory_space<hbm>> -> memref<400x128xf32, #tpu.memory_space<hbm>>
      %dma_wait3A_420 = arith.constant 0 : i32
      %dma_wait3A_421 = tpu.memref_slice %arg5[%add3A_417, %dma_wait3A_420] : memref<819200x128xf32, #tpu.memory_space<hbm>> -> memref<400x128xf32, #tpu.memory_space<hbm>>
      tpu.wait_dma2 semaphore(%arg18 : memref<!tpu.dma_semaphore, #tpu.memory_space<semaphore_mem>>) src(%arg10 : memref<400x128xf32, #tpu.memory_space<vmem>>) dst(%dma_wait3A_421 : memref<400x128xf32, #tpu.memory_space<hbm>>)
      %add3A_422 = arith.constant 3 : i32
      %add3A_423 = arith.addi %mul3A_210, %add3A_422 : i32
      %mul3A_424 = arith.constant 400 : i32
      %mul3A_425 = arith.muli %add3A_423, %mul3A_424 : i32
      %add3A_426 = arith.addi %mul3A_2, %mul3A_425 : i32
      %dma_start3A_427 = tpu.memref_slice %arg2[%add3A_426] : memref<819200xi32, #tpu.memory_space<hbm>> -> memref<400xi32, #tpu.memory_space<hbm>>
      %dma_start3A_428 = tpu.memref_slice %arg2[%add3A_426] : memref<819200xi32, #tpu.memory_space<hbm>> -> memref<400xi32, #tpu.memory_space<hbm>>
      tpu.enqueue_dma source(%dma_start3A_428 : memref<400xi32, #tpu.memory_space<hbm>>) target(%arg8 : memref<400xi32, #tpu.memory_space<vmem>>) target_semaphore(%arg12 : memref<!tpu.dma_semaphore, #tpu.memory_space<semaphore_mem>>)
      tpu.enqueue_dma source(%arg6 : memref<400x128xf32, #tpu.memory_space<vmem_shared>>) target(%arg10 : memref<400x128xf32, #tpu.memory_space<vmem>>) target_semaphore(%arg14 : memref<!tpu.dma_semaphore, #tpu.memory_space<semaphore_mem>>)
    }
    %scan3A_59 = arith.constant 31 : i32
    %dma_wait3A_60 = arith.constant 0 : i32
    %dma_wait3A_61 = tpu.memref_slice %arg2[%dma_wait3A_60] : memref<819200xi32, #tpu.memory_space<hbm>> -> memref<400xi32, #tpu.memory_space<hbm>>
    %dma_wait3A_62 = arith.constant 0 : i32
    %dma_wait3A_63 = tpu.memref_slice %arg2[%dma_wait3A_62] : memref<819200xi32, #tpu.memory_space<hbm>> -> memref<400xi32, #tpu.memory_space<hbm>>
    tpu.wait_dma2 semaphore(%arg12 : memref<!tpu.dma_semaphore, #tpu.memory_space<semaphore_mem>>) src(%dma_wait3A_63 : memref<400xi32, #tpu.memory_space<hbm>>) dst(%arg8 : memref<400xi32, #tpu.memory_space<vmem>>)
    tpu.wait_dma2 semaphore(%arg14 : memref<!tpu.dma_semaphore, #tpu.memory_space<semaphore_mem>>) src(%arg6 : memref<400x128xf32, #tpu.memory_space<vmem_shared>>) dst(%arg10 : memref<400x128xf32, #tpu.memory_space<vmem>>)
    %dma_start3A_64 = arith.constant 0 : i32
    %dma_start3A_65 = arith.constant 0 : i32
    %dma_start3A_66 = tpu.memref_slice %arg10[%dma_start3A_64, %dma_start3A_65] : memref<400x128xf32, #tpu.memory_space<vmem>> -> memref<80x128xf32, #tpu.memory_space<vmem>>
    %dma_start3A_67 = arith.constant 0 : i32
    %dma_start3A_68 = tpu.memref_slice %arg8[%dma_start3A_67] : memref<400xi32, #tpu.memory_space<vmem>> -> memref<80xi32, #tpu.memory_space<vmem>>
    %dma_start3A_69 = arith.constant 0 : i32
    %dma_start3A_70 = arith.constant 0 : i32
    %dma_start3A_71 = tpu.memref_slice %arg4[%dma_start3A_69, %dma_start3A_70] : memref<1000000x128xf32, #tpu.memory_space<hbm>> -> memref<1000000x128xf32, #tpu.memory_space<hbm>>
    tpu.enqueue_indirect_dma source(%dma_start3A_71 : memref<1000000x128xf32, #tpu.memory_space<hbm>>) target(%dma_start3A_66 : memref<80x128xf32, #tpu.memory_space<vmem>>) offsets(%dma_start3A_68 : memref<80xi32, #tpu.memory_space<vmem>>) semaphore(%arg16 : memref<!tpu.dma_semaphore, #tpu.memory_space<semaphore_mem>>) {add = true}
    %dma_start3A_72 = arith.constant 80 : i32
    %dma_start3A_73 = arith.constant 0 : i32
    %dma_start3A_74 = tpu.memref_slice %arg10[%dma_start3A_72, %dma_start3A_73] : memref<400x128xf32, #tpu.memory_space<vmem>> -> memref<80x128xf32, #tpu.memory_space<vmem>>
    %dma_start3A_75 = arith.constant 80 : i32
    %dma_start3A_76 = tpu.memref_slice %arg8[%dma_start3A_75] : memref<400xi32, #tpu.memory_space<vmem>> -> memref<80xi32, #tpu.memory_space<vmem>>
    %dma_start3A_77 = arith.constant 0 : i32
    %dma_start3A_78 = arith.constant 0 : i32
    %dma_start3A_79 = tpu.memref_slice %arg4[%dma_start3A_77, %dma_start3A_78] : memref<1000000x128xf32, #tpu.memory_space<hbm>> -> memref<1000000x128xf32, #tpu.memory_space<hbm>>
    tpu.enqueue_indirect_dma source(%dma_start3A_79 : memref<1000000x128xf32, #tpu.memory_space<hbm>>) target(%dma_start3A_74 : memref<80x128xf32, #tpu.memory_space<vmem>>) offsets(%dma_start3A_76 : memref<80xi32, #tpu.memory_space<vmem>>) semaphore(%arg16 : memref<!tpu.dma_semaphore, #tpu.memory_space<semaphore_mem>>) {add = true}
    %dma_start3A_80 = arith.constant 160 : i32
    %dma_start3A_81 = arith.constant 0 : i32
    %dma_start3A_82 = tpu.memref_slice %arg10[%dma_start3A_80, %dma_start3A_81] : memref<400x128xf32, #tpu.memory_space<vmem>> -> memref<80x128xf32, #tpu.memory_space<vmem>>
    %dma_start3A_83 = arith.constant 160 : i32
    %dma_start3A_84 = tpu.memref_slice %arg8[%dma_start3A_83] : memref<400xi32, #tpu.memory_space<vmem>> -> memref<80xi32, #tpu.memory_space<vmem>>
    %dma_start3A_85 = arith.constant 0 : i32
    %dma_start3A_86 = arith.constant 0 : i32
    %dma_start3A_87 = tpu.memref_slice %arg4[%dma_start3A_85, %dma_start3A_86] : memref<1000000x128xf32, #tpu.memory_space<hbm>> -> memref<1000000x128xf32, #tpu.memory_space<hbm>>
    tpu.enqueue_indirect_dma source(%dma_start3A_87 : memref<1000000x128xf32, #tpu.memory_space<hbm>>) target(%dma_start3A_82 : memref<80x128xf32, #tpu.memory_space<vmem>>) offsets(%dma_start3A_84 : memref<80xi32, #tpu.memory_space<vmem>>) semaphore(%arg16 : memref<!tpu.dma_semaphore, #tpu.memory_space<semaphore_mem>>) {add = true}
    %dma_start3A_88 = arith.constant 240 : i32
    %dma_start3A_89 = arith.constant 0 : i32
    %dma_start3A_90 = tpu.memref_slice %arg10[%dma_start3A_88, %dma_start3A_89] : memref<400x128xf32, #tpu.memory_space<vmem>> -> memref<80x128xf32, #tpu.memory_space<vmem>>
    %dma_start3A_91 = arith.constant 240 : i32
    %dma_start3A_92 = tpu.memref_slice %arg8[%dma_start3A_91] : memref<400xi32, #tpu.memory_space<vmem>> -> memref<80xi32, #tpu.memory_space<vmem>>
    %dma_start3A_93 = arith.constant 0 : i32
    %dma_start3A_94 = arith.constant 0 : i32
    %dma_start3A_95 = tpu.memref_slice %arg4[%dma_start3A_93, %dma_start3A_94] : memref<1000000x128xf32, #tpu.memory_space<hbm>> -> memref<1000000x128xf32, #tpu.memory_space<hbm>>
    tpu.enqueue_indirect_dma source(%dma_start3A_95 : memref<1000000x128xf32, #tpu.memory_space<hbm>>) target(%dma_start3A_90 : memref<80x128xf32, #tpu.memory_space<vmem>>) offsets(%dma_start3A_92 : memref<80xi32, #tpu.memory_space<vmem>>) semaphore(%arg16 : memref<!tpu.dma_semaphore, #tpu.memory_space<semaphore_mem>>) {add = true}
    %dma_start3A_96 = arith.constant 320 : i32
    %dma_start3A_97 = arith.constant 0 : i32
    %dma_start3A_98 = tpu.memref_slice %arg10[%dma_start3A_96, %dma_start3A_97] : memref<400x128xf32, #tpu.memory_space<vmem>> -> memref<80x128xf32, #tpu.memory_space<vmem>>
    %dma_start3A_99 = arith.constant 320 : i32
    %dma_start3A_100 = tpu.memref_slice %arg8[%dma_start3A_99] : memref<400xi32, #tpu.memory_space<vmem>> -> memref<80xi32, #tpu.memory_space<vmem>>
    %dma_start3A_101 = arith.constant 0 : i32
    %dma_start3A_102 = arith.constant 0 : i32
    %dma_start3A_103 = tpu.memref_slice %arg4[%dma_start3A_101, %dma_start3A_102] : memref<1000000x128xf32, #tpu.memory_space<hbm>> -> memref<1000000x128xf32, #tpu.memory_space<hbm>>
    tpu.enqueue_indirect_dma source(%dma_start3A_103 : memref<1000000x128xf32, #tpu.memory_space<hbm>>) target(%dma_start3A_98 : memref<80x128xf32, #tpu.memory_space<vmem>>) offsets(%dma_start3A_100 : memref<80xi32, #tpu.memory_space<vmem>>) semaphore(%arg16 : memref<!tpu.dma_semaphore, #tpu.memory_space<semaphore_mem>>) {add = true}
    %add3A_104 = arith.constant 24800 : i32
    %add3A_105 = arith.addi %mul3A_2, %add3A_104 : i32
    %dma_wait3A_106 = arith.constant 0 : i32
    %dma_wait3A_107 = arith.constant 0 : i32
    %dma_wait3A_108 = tpu.memref_slice %arg9[%dma_wait3A_106, %dma_wait3A_107] : memref<400x128xf32, #tpu.memory_space<vmem>> -> memref<80x128xf32, #tpu.memory_space<vmem>>
    %dma_wait3A_109 = arith.constant 0 : i32
    %dma_wait3A_110 = tpu.memref_slice %arg7[%dma_wait3A_109] : memref<400xi32, #tpu.memory_space<vmem>> -> memref<80xi32, #tpu.memory_space<vmem>>
    %dma_wait3A_111 = arith.constant 0 : i32
    %dma_wait3A_112 = arith.constant 0 : i32
    %dma_wait3A_113 = tpu.memref_slice %arg4[%dma_wait3A_111, %dma_wait3A_112] : memref<1000000x128xf32, #tpu.memory_space<hbm>> -> memref<1000000x128xf32, #tpu.memory_space<hbm>>
    tpu.wait_indirect_dma semaphore(%arg15 : memref<!tpu.dma_semaphore, #tpu.memory_space<semaphore_mem>>) src(%dma_wait3A_113 : memref<1000000x128xf32, #tpu.memory_space<hbm>>) dst(%dma_wait3A_108 : memref<80x128xf32, #tpu.memory_space<vmem>>)
    %dma_wait3A_114 = arith.constant 80 : i32
    %dma_wait3A_115 = arith.constant 0 : i32
    %dma_wait3A_116 = tpu.memref_slice %arg9[%dma_wait3A_114, %dma_wait3A_115] : memref<400x128xf32, #tpu.memory_space<vmem>> -> memref<80x128xf32, #tpu.memory_space<vmem>>
    %dma_wait3A_117 = arith.constant 80 : i32
    %dma_wait3A_118 = tpu.memref_slice %arg7[%dma_wait3A_117] : memref<400xi32, #tpu.memory_space<vmem>> -> memref<80xi32, #tpu.memory_space<vmem>>
    %dma_wait3A_119 = arith.constant 0 : i32
    %dma_wait3A_120 = arith.constant 0 : i32
    %dma_wait3A_121 = tpu.memref_slice %arg4[%dma_wait3A_119, %dma_wait3A_120] : memref<1000000x128xf32, #tpu.memory_space<hbm>> -> memref<1000000x128xf32, #tpu.memory_space<hbm>>
    tpu.wait_indirect_dma semaphore(%arg15 : memref<!tpu.dma_semaphore, #tpu.memory_space<semaphore_mem>>) src(%dma_wait3A_121 : memref<1000000x128xf32, #tpu.memory_space<hbm>>) dst(%dma_wait3A_116 : memref<80x128xf32, #tpu.memory_space<vmem>>)
    %dma_wait3A_122 = arith.constant 160 : i32
    %dma_wait3A_123 = arith.constant 0 : i32
    %dma_wait3A_124 = tpu.memref_slice %arg9[%dma_wait3A_122, %dma_wait3A_123] : memref<400x128xf32, #tpu.memory_space<vmem>> -> memref<80x128xf32, #tpu.memory_space<vmem>>
    %dma_wait3A_125 = arith.constant 160 : i32
    %dma_wait3A_126 = tpu.memref_slice %arg7[%dma_wait3A_125] : memref<400xi32, #tpu.memory_space<vmem>> -> memref<80xi32, #tpu.memory_space<vmem>>
    %dma_wait3A_127 = arith.constant 0 : i32
    %dma_wait3A_128 = arith.constant 0 : i32
    %dma_wait3A_129 = tpu.memref_slice %arg4[%dma_wait3A_127, %dma_wait3A_128] : memref<1000000x128xf32, #tpu.memory_space<hbm>> -> memref<1000000x128xf32, #tpu.memory_space<hbm>>
    tpu.wait_indirect_dma semaphore(%arg15 : memref<!tpu.dma_semaphore, #tpu.memory_space<semaphore_mem>>) src(%dma_wait3A_129 : memref<1000000x128xf32, #tpu.memory_space<hbm>>) dst(%dma_wait3A_124 : memref<80x128xf32, #tpu.memory_space<vmem>>)
    %dma_wait3A_130 = arith.constant 240 : i32
    %dma_wait3A_131 = arith.constant 0 : i32
    %dma_wait3A_132 = tpu.memref_slice %arg9[%dma_wait3A_130, %dma_wait3A_131] : memref<400x128xf32, #tpu.memory_space<vmem>> -> memref<80x128xf32, #tpu.memory_space<vmem>>
    %dma_wait3A_133 = arith.constant 240 : i32
    %dma_wait3A_134 = tpu.memref_slice %arg7[%dma_wait3A_133] : memref<400xi32, #tpu.memory_space<vmem>> -> memref<80xi32, #tpu.memory_space<vmem>>
    %dma_wait3A_135 = arith.constant 0 : i32
    %dma_wait3A_136 = arith.constant 0 : i32
    %dma_wait3A_137 = tpu.memref_slice %arg4[%dma_wait3A_135, %dma_wait3A_136] : memref<1000000x128xf32, #tpu.memory_space<hbm>> -> memref<1000000x128xf32, #tpu.memory_space<hbm>>
    tpu.wait_indirect_dma semaphore(%arg15 : memref<!tpu.dma_semaphore, #tpu.memory_space<semaphore_mem>>) src(%dma_wait3A_137 : memref<1000000x128xf32, #tpu.memory_space<hbm>>) dst(%dma_wait3A_132 : memref<80x128xf32, #tpu.memory_space<vmem>>)
    %dma_wait3A_138 = arith.constant 320 : i32
    %dma_wait3A_139 = arith.constant 0 : i32
    %dma_wait3A_140 = tpu.memref_slice %arg9[%dma_wait3A_138, %dma_wait3A_139] : memref<400x128xf32, #tpu.memory_space<vmem>> -> memref<80x128xf32, #tpu.memory_space<vmem>>
    %dma_wait3A_141 = arith.constant 320 : i32
    %dma_wait3A_142 = tpu.memref_slice %arg7[%dma_wait3A_141] : memref<400xi32, #tpu.memory_space<vmem>> -> memref<80xi32, #tpu.memory_space<vmem>>
    %dma_wait3A_143 = arith.constant 0 : i32
    %dma_wait3A_144 = arith.constant 0 : i32
    %dma_wait3A_145 = tpu.memref_slice %arg4[%dma_wait3A_143, %dma_wait3A_144] : memref<1000000x128xf32, #tpu.memory_space<hbm>> -> memref<1000000x128xf32, #tpu.memory_space<hbm>>
    tpu.wait_indirect_dma semaphore(%arg15 : memref<!tpu.dma_semaphore, #tpu.memory_space<semaphore_mem>>) src(%dma_wait3A_145 : memref<1000000x128xf32, #tpu.memory_space<hbm>>) dst(%dma_wait3A_140 : memref<80x128xf32, #tpu.memory_space<vmem>>)
    %dma_start3A_146 = arith.constant 0 : i32
    %dma_start3A_147 = tpu.memref_slice %arg5[%add3A_105, %dma_start3A_146] : memref<819200x128xf32, #tpu.memory_space<hbm>> -> memref<400x128xf32, #tpu.memory_space<hbm>>
    %dma_start3A_148 = arith.constant 0 : i32
    %dma_start3A_149 = tpu.memref_slice %arg5[%add3A_105, %dma_start3A_148] : memref<819200x128xf32, #tpu.memory_space<hbm>> -> memref<400x128xf32, #tpu.memory_space<hbm>>
    tpu.enqueue_dma source(%arg9 : memref<400x128xf32, #tpu.memory_space<vmem>>) target(%dma_start3A_149 : memref<400x128xf32, #tpu.memory_space<hbm>>) target_semaphore(%arg17 : memref<!tpu.dma_semaphore, #tpu.memory_space<semaphore_mem>>)
    %add3A_150 = arith.constant 25200 : i32
    %add3A_151 = arith.addi %mul3A_2, %add3A_150 : i32
    %dma_wait3A_152 = arith.constant 0 : i32
    %dma_wait3A_153 = arith.constant 0 : i32
    %dma_wait3A_154 = tpu.memref_slice %arg10[%dma_wait3A_152, %dma_wait3A_153] : memref<400x128xf32, #tpu.memory_space<vmem>> -> memref<80x128xf32, #tpu.memory_space<vmem>>
    %dma_wait3A_155 = arith.constant 0 : i32
    %dma_wait3A_156 = tpu.memref_slice %arg8[%dma_wait3A_155] : memref<400xi32, #tpu.memory_space<vmem>> -> memref<80xi32, #tpu.memory_space<vmem>>
    %dma_wait3A_157 = arith.constant 0 : i32
    %dma_wait3A_158 = arith.constant 0 : i32
    %dma_wait3A_159 = tpu.memref_slice %arg4[%dma_wait3A_157, %dma_wait3A_158] : memref<1000000x128xf32, #tpu.memory_space<hbm>> -> memref<1000000x128xf32, #tpu.memory_space<hbm>>
    tpu.wait_indirect_dma semaphore(%arg16 : memref<!tpu.dma_semaphore, #tpu.memory_space<semaphore_mem>>) src(%dma_wait3A_159 : memref<1000000x128xf32, #tpu.memory_space<hbm>>) dst(%dma_wait3A_154 : memref<80x128xf32, #tpu.memory_space<vmem>>)
    %dma_wait3A_160 = arith.constant 80 : i32
    %dma_wait3A_161 = arith.constant 0 : i32
    %dma_wait3A_162 = tpu.memref_slice %arg10[%dma_wait3A_160, %dma_wait3A_161] : memref<400x128xf32, #tpu.memory_space<vmem>> -> memref<80x128xf32, #tpu.memory_space<vmem>>
    %dma_wait3A_163 = arith.constant 80 : i32
    %dma_wait3A_164 = tpu.memref_slice %arg8[%dma_wait3A_163] : memref<400xi32, #tpu.memory_space<vmem>> -> memref<80xi32, #tpu.memory_space<vmem>>
    %dma_wait3A_165 = arith.constant 0 : i32
    %dma_wait3A_166 = arith.constant 0 : i32
    %dma_wait3A_167 = tpu.memref_slice %arg4[%dma_wait3A_165, %dma_wait3A_166] : memref<1000000x128xf32, #tpu.memory_space<hbm>> -> memref<1000000x128xf32, #tpu.memory_space<hbm>>
    tpu.wait_indirect_dma semaphore(%arg16 : memref<!tpu.dma_semaphore, #tpu.memory_space<semaphore_mem>>) src(%dma_wait3A_167 : memref<1000000x128xf32, #tpu.memory_space<hbm>>) dst(%dma_wait3A_162 : memref<80x128xf32, #tpu.memory_space<vmem>>)
    %dma_wait3A_168 = arith.constant 160 : i32
    %dma_wait3A_169 = arith.constant 0 : i32
    %dma_wait3A_170 = tpu.memref_slice %arg10[%dma_wait3A_168, %dma_wait3A_169] : memref<400x128xf32, #tpu.memory_space<vmem>> -> memref<80x128xf32, #tpu.memory_space<vmem>>
    %dma_wait3A_171 = arith.constant 160 : i32
    %dma_wait3A_172 = tpu.memref_slice %arg8[%dma_wait3A_171] : memref<400xi32, #tpu.memory_space<vmem>> -> memref<80xi32, #tpu.memory_space<vmem>>
    %dma_wait3A_173 = arith.constant 0 : i32
    %dma_wait3A_174 = arith.constant 0 : i32
    %dma_wait3A_175 = tpu.memref_slice %arg4[%dma_wait3A_173, %dma_wait3A_174] : memref<1000000x128xf32, #tpu.memory_space<hbm>> -> memref<1000000x128xf32, #tpu.memory_space<hbm>>
    tpu.wait_indirect_dma semaphore(%arg16 : memref<!tpu.dma_semaphore, #tpu.memory_space<semaphore_mem>>) src(%dma_wait3A_175 : memref<1000000x128xf32, #tpu.memory_space<hbm>>) dst(%dma_wait3A_170 : memref<80x128xf32, #tpu.memory_space<vmem>>)
    %dma_wait3A_176 = arith.constant 240 : i32
    %dma_wait3A_177 = arith.constant 0 : i32
    %dma_wait3A_178 = tpu.memref_slice %arg10[%dma_wait3A_176, %dma_wait3A_177] : memref<400x128xf32, #tpu.memory_space<vmem>> -> memref<80x128xf32, #tpu.memory_space<vmem>>
    %dma_wait3A_179 = arith.constant 240 : i32
    %dma_wait3A_180 = tpu.memref_slice %arg8[%dma_wait3A_179] : memref<400xi32, #tpu.memory_space<vmem>> -> memref<80xi32, #tpu.memory_space<vmem>>
    %dma_wait3A_181 = arith.constant 0 : i32
    %dma_wait3A_182 = arith.constant 0 : i32
    %dma_wait3A_183 = tpu.memref_slice %arg4[%dma_wait3A_181, %dma_wait3A_182] : memref<1000000x128xf32, #tpu.memory_space<hbm>> -> memref<1000000x128xf32, #tpu.memory_space<hbm>>
    tpu.wait_indirect_dma semaphore(%arg16 : memref<!tpu.dma_semaphore, #tpu.memory_space<semaphore_mem>>) src(%dma_wait3A_183 : memref<1000000x128xf32, #tpu.memory_space<hbm>>) dst(%dma_wait3A_178 : memref<80x128xf32, #tpu.memory_space<vmem>>)
    %dma_wait3A_184 = arith.constant 320 : i32
    %dma_wait3A_185 = arith.constant 0 : i32
    %dma_wait3A_186 = tpu.memref_slice %arg10[%dma_wait3A_184, %dma_wait3A_185] : memref<400x128xf32, #tpu.memory_space<vmem>> -> memref<80x128xf32, #tpu.memory_space<vmem>>
    %dma_wait3A_187 = arith.constant 320 : i32
    %dma_wait3A_188 = tpu.memref_slice %arg8[%dma_wait3A_187] : memref<400xi32, #tpu.memory_space<vmem>> -> memref<80xi32, #tpu.memory_space<vmem>>
    %dma_wait3A_189 = arith.constant 0 : i32
    %dma_wait3A_190 = arith.constant 0 : i32
    %dma_wait3A_191 = tpu.memref_slice %arg4[%dma_wait3A_189, %dma_wait3A_190] : memref<1000000x128xf32, #tpu.memory_space<hbm>> -> memref<1000000x128xf32, #tpu.memory_space<hbm>>
    tpu.wait_indirect_dma semaphore(%arg16 : memref<!tpu.dma_semaphore, #tpu.memory_space<semaphore_mem>>) src(%dma_wait3A_191 : memref<1000000x128xf32, #tpu.memory_space<hbm>>) dst(%dma_wait3A_186 : memref<80x128xf32, #tpu.memory_space<vmem>>)
    %dma_start3A_192 = arith.constant 0 : i32
    %dma_start3A_193 = tpu.memref_slice %arg5[%add3A_151, %dma_start3A_192] : memref<819200x128xf32, #tpu.memory_space<hbm>> -> memref<400x128xf32, #tpu.memory_space<hbm>>
    %dma_start3A_194 = arith.constant 0 : i32
    %dma_start3A_195 = tpu.memref_slice %arg5[%add3A_151, %dma_start3A_194] : memref<819200x128xf32, #tpu.memory_space<hbm>> -> memref<400x128xf32, #tpu.memory_space<hbm>>
    tpu.enqueue_dma source(%arg10 : memref<400x128xf32, #tpu.memory_space<vmem>>) target(%dma_start3A_195 : memref<400x128xf32, #tpu.memory_space<hbm>>) target_semaphore(%arg18 : memref<!tpu.dma_semaphore, #tpu.memory_space<semaphore_mem>>)
    %add3A_196 = arith.constant 24800 : i32
    %add3A_197 = arith.addi %mul3A_2, %add3A_196 : i32
    %dma_wait3A_198 = arith.constant 0 : i32
    %dma_wait3A_199 = tpu.memref_slice %arg5[%add3A_197, %dma_wait3A_198] : memref<819200x128xf32, #tpu.memory_space<hbm>> -> memref<400x128xf32, #tpu.memory_space<hbm>>
    %dma_wait3A_200 = arith.constant 0 : i32
    %dma_wait3A_201 = tpu.memref_slice %arg5[%add3A_197, %dma_wait3A_200] : memref<819200x128xf32, #tpu.memory_space<hbm>> -> memref<400x128xf32, #tpu.memory_space<hbm>>
    tpu.wait_dma2 semaphore(%arg17 : memref<!tpu.dma_semaphore, #tpu.memory_space<semaphore_mem>>) src(%arg9 : memref<400x128xf32, #tpu.memory_space<vmem>>) dst(%dma_wait3A_201 : memref<400x128xf32, #tpu.memory_space<hbm>>)
    %add3A_202 = arith.constant 25200 : i32
    %add3A_203 = arith.addi %mul3A_2, %add3A_202 : i32
    %dma_wait3A_204 = arith.constant 0 : i32
    %dma_wait3A_205 = tpu.memref_slice %arg5[%add3A_203, %dma_wait3A_204] : memref<819200x128xf32, #tpu.memory_space<hbm>> -> memref<400x128xf32, #tpu.memory_space<hbm>>
    %dma_wait3A_206 = arith.constant 0 : i32
    %dma_wait3A_207 = tpu.memref_slice %arg5[%add3A_203, %dma_wait3A_206] : memref<819200x128xf32, #tpu.memory_space<hbm>> -> memref<400x128xf32, #tpu.memory_space<hbm>>
    tpu.wait_dma2 semaphore(%arg18 : memref<!tpu.dma_semaphore, #tpu.memory_space<semaphore_mem>>) src(%arg10 : memref<400x128xf32, #tpu.memory_space<vmem>>) dst(%dma_wait3A_207 : memref<400x128xf32, #tpu.memory_space<hbm>>)
    return
  }
}

</mosaic_0001>

<sc_bundles>
// kernel: kernel.3.cloned.1.call-start
scs
__scs_entry_jumppad:
0x0: {  	(pc) =	sbr.rel $0x88, $3  }
0x1: {  	(tag) =	ssettag $0x0;
	lr =	simm.s32 $0x1  }
0x2: {  	[smem:$0x3F9F] =	sst lr;
	_ =	strace $0xD0000000  }
0x3: {  	_ = 	snop  }
0x4: {  	_ = 	snop  }
0x5: {  	_ = 	snop  }
0x6: {  	_ = 	snop  }
0x7: {  	_ = 	snop  }
__scs_overlays_trampoline_lowered:
0x8: {  	[smem:$0x3FAE] =	sst s0  }
0x9: {  	[smem:$0x3FAF] =	sst s1  }
0xa: {  	[smem:$0x3FB0] =	sst s2  }
0xb: {  	[smem:$0x3FB1] =	sst s3  }
0xc: {  	[smem:$0x3FB2] =	sst s4  }
0xd: {  	[smem:$0x3FB3] =	sst s5  }
0xe: {  	[smem:$0x3FB4] =	sst s6  }
0xf: {  	[smem:$0x3FB5] =	sst s7  }
0x10: {  	[smem:$0x3FB6] =	sst s8  }
0x11: {  	[smem:$0x3FB7] =	sst s9;
	s0 =	simm.s32 @!p0 $0x0  }
0x12: {  	s1 =	sld [smem:$0x3F9D];
	s0 =	simm.s32 @p0 $0x1  }
0x13: {  	[smem:$0x3FB8] =	sst s0;
	s0 =	simm.s32 @!p1 $0x0  }
0x14: {  	s2 =	sld [smem:$0x3F9C];
	s0 =	simm.s32 @p1 $0x1  }
0x15: {  	[smem:$0x3FB9] =	sst s0;
	s0 =	simm.s32 @!p2 $0x0  }
0x16: {  	s3 =	sld [smem:$0x3FDB];
	s0 =	simm.s32 @p2 $0x1  }
0x17: {  	s4 =	simm.s32 $0x1BF5;
	[smem:$0x3FBB] =	sst s0  }
0x18: {  	s0 =	sld [smem:$0x3F9E];
	_ =	swait.ge [sflag:s4], $0x0  }
0x19: {  	s7 =	sld [smem:$0x3F9F]  }
0x1a: {  	s8 =	sadd.s32 $0xFFFFE003, lr  }
0x1b: {  	s9 =	sadd.s32 $0xFFFFFEF7, lr;
	s5 =	simm.s32 $0xFFFFFFFF;
	p2 =	slt.u32 s8, $0xFFFFF086  }
0x1c: {  	p1 =	slt.u32 s9, $0xF7A;
	s5 =	simm.s32 @!p2 $0x0  }
0x1d: {  	s5 =	simm.s32 @p1 $0x1;
	p0 =	seq.s32 s7, s2  }
0x1e: {  	s7 =	smul.u32 @!p0 $0xF7A, s2;
	p2 =	seq.s32 @!p0 s5, $0x0  }
0x1f: {  	s9 =	smul.u32 $0xF7A, s1;
	s8 =	simm.s32 @!p0 $0x1BF5;
	p2 =	por !p2, p0  }
0x20: {  	[sflag:s8] =	ssyncset.s32 @!p0 $0xFFFFF086;
	s6 =	sadd.s32 @!p0 s3, s7;
	s7 =	simm.s32 @!p0 $0x108  }
0x21: {  	s3 =	sadd.s32 s3, s9;
	s6 =	sadd.s32 @!p0 $0x88, s6;
	s7 =	simm.s32 @p2 $0x1082  }
0x22: {  	[simem:s7], [sflag:s8] =	dma.local @!p0 [hbm:s6], $0xF7A  }
0x23: {  	s9 =	sor.u32 $0xD0000000, s2;
	s6 =	simm.s32 $0x108;
	_ =	swait.ge @!p0 [sflag:s8], $0x0  }
0x24: {  	s3 =	sadd.s32 $0x88, s3;
	s6 =	simm.s32 @!p1 $0x1082;
	[sflag:s4] =	ssyncset.s32 $0xFFFFF086  }
0x25: {  	[simem:s6], [sflag:s4] =	dma.local [hbm:s3], $0xF7A  }
0x26: {  	[smem:$0x3F9F] =	sst s1;
	(tag) =	ssettag s2;
	_ =	strace s9  }
0x27: {  	s1 =	sld [smem:$0x3FAF]  }
0x28: {  	s2 =	sld [smem:$0x3FB0]  }
0x29: {  	s4 =	sld [smem:$0x3FB2]  }
0x2a: {  	p0 =	seq.s32 s5, $0x0;
	s5 =	sld [smem:$0x3FB3]  }
0x2b: {  	s6 =	sld [smem:$0x3FB4]  }
0x2c: {  	s7 =	sld [smem:$0x3FB5]  }
0x2d: {  	s3 =	simm.s32 $0x108;
	s8 =	sld [smem:$0x3FB6]  }
0x2e: {  	s3 =	simm.s32 @!p0 $0x1082;
	s9 =	sld [smem:$0x3FB7]  }
0x2f: {  	lr =	sadd.s32 s0, s3;
	s0 =	sld [smem:$0x3FAE]  }
0x30: {  	s3 =	sld [smem:$0x3FB1]  }
0x31: {  	[smem:$0x3FBA] =	sst s10  }
0x32: {  	s10 =	sld [smem:$0x3FB8];
	_ =	sdelay $0x3  }
0x33: {  	p0 =	seq.s32 s10, $0x1;
	s10 =	sld [smem:$0x3FBA];
	_ =	sdelay $0x3  }
0x34: {  	[smem:$0x3FBA] =	sst s10  }
0x35: {  	s10 =	sld [smem:$0x3FB9];
	_ =	sdelay $0x3  }
0x36: {  	p1 =	seq.s32 s10, $0x1;
	s10 =	sld [smem:$0x3FBA];
	_ =	sdelay $0x3  }
0x37: {  	[smem:$0x3FBA] =	sst s10  }
0x38: {  	s10 =	sld [smem:$0x3FBB]  }
0x39: {  	_ = 	snop;
	(pc) =	sbr.ind lr, $3  }
0x3a: {  	_ = 	snop  }
0x3b: {  	_ = 	snop  }
0x3c: {  	p2 =	seq.s32 s10, $0x1;
	s10 =	sld [smem:$0x3FBA]  }
0x3d: {  	_ =	shalt  }
0x3e: {  	_ =	shalt  }
0x3f: {  	_ =	shalt  }
0x40: {  	_ =	shalt  }
0x41: {  	_ =	shalt  }
0x42: {  	_ =	shalt  }
0x43: {  	_ =	shalt  }
0x44: {  	_ =	shalt  }
0x45: {  	_ =	shalt  }
0x46: {  	_ =	shalt  }
0x47: {  	_ =	shalt  }
0x48: {  	_ =	shalt  }
0x49: {  	_ =	shalt  }
0x4a: {  	_ =	shalt  }
0x4b: {  	_ =	shalt  }
0x4c: {  	_ =	shalt  }
0x4d: {  	_ =	shalt  }
0x4e: {  	_ =	shalt  }
0x4f: {  	_ =	shalt  }
0x50: {  	_ =	shalt  }
0x51: {  	_ =	shalt  }
0x52: {  	_ =	shalt  }
0x53: {  	_ =	shalt  }
0x54: {  	_ =	shalt  }
0x55: {  	_ =	shalt  }
0x56: {  	_ =	shalt  }
0x57: {  	_ =	shalt  }
0x58: {  	_ =	shalt  }
0x59: {  	_ =	shalt  }
0x5a: {  	_ =	shalt  }
0x5b: {  	_ =	shalt  }
0x5c: {  	_ =	shalt  }
0x5d: {  	_ =	shalt  }
0x5e: {  	_ =	shalt  }
0x5f: {  	_ =	shalt  }
0x60: {  	_ =	shalt  }
0x61: {  	_ =	shalt  }
0x62: {  	_ =	shalt  }
0x63: {  	_ =	shalt  }
0x64: {  	_ =	shalt  }
0x65: {  	_ =	shalt  }
0x66: {  	_ =	shalt  }
0x67: {  	_ =	shalt  }
0x68: {  	_ =	shalt  }
0x69: {  	_ =	shalt  }
0x6a: {  	_ =	shalt  }
0x6b: {  	_ =	shalt  }
0x6c: {  	_ =	shalt  }
0x6d: {  	_ =	shalt  }
0x6e: {  	_ =	shalt  }
0x6f: {  	_ =	shalt  }
0x70: {  	_ =	shalt  }
0x71: {  	_ =	shalt  }
0x72: {  	_ =	shalt  }
0x73: {  	_ =	shalt  }
0x74: {  	_ =	shalt  }
0x75: {  	_ =	shalt  }
0x76: {  	_ =	shalt  }
0x77: {  	_ =	shalt  }
0x78: {  	_ =	shalt  }
0x79: {  	_ =	shalt  }
0x7a: {  	_ =	shalt  }
0x7b: {  	_ =	shalt  }
0x7c: {  	_ =	shalt  }
0x7d: {  	_ =	shalt  }
0x7e: {  	_ =	shalt  }
0x7f: {  	_ =	shalt  }
0x80: {  	_ =	shalt  }
0x81: {  	_ =	shalt  }
0x82: {  	_ =	shalt  }
0x83: {  	_ =	shalt  }
0x84: {  	_ =	shalt  }
0x85: {  	_ =	shalt  }
0x86: {  	_ =	shalt  }
0x87: {  	_ =	shalt  }
.Lfunc_end0:
.L_simem_size_0:
called_computation.1_lowered:
.L_overlay_start_0:
0x88: {  	s2 =	sld [smem:$0x3FD9]  }
0x89: {  	s3 =	sld [smem:$0x3FFE];
	_ =	sdelay $0x1  }
0x8a: {  	s1 =	srdreg.scid  }
0x8b: {  	s0 =	sand.u32 $0x1, s1  }
0x8c: {  	s17 =	sshll.u32 s0, $0xA;
	s2 =	sadd.s32 s3, s2  }
0x8d: {  	s2 =	sadd.s32 s2, s17  }
0x8e: {  	[smem:$0x3FC6] =	sst s2  }
0x8f: {  	_ = 	snop  }
0x90: {  	s2 =	sld [smem:$0x3FD0];
	(tm) =	ssettm $0x1  }
0x91: {  	s18 =	sld [smem:$0x3FFB];
	_ =	sdelay $0x3  }
0x92: {  	_ =	strace s18  }
0x93: {  	s3 =	sld [smem:$0x3FFC];
	_ =	sdelay $0x3  }
0x94: {  	_ =	strace s3  }
0x95: {  	s3 =	sld [smem:$0x3FFD];
	_ =	sdelay $0x3  }
0x96: {  	_ =	strace s3  }
0x97: {  	_ =	strace $0x8FFFFFFF  }
0x98: {  	s19 =	sld [smem:$0x3FDB];
	_ =	sdelay $0x1  }
0x99: {  	s4 =	simm.s32 $_scs_section_size  }
0x9a: {  	s5 =	simm.s32 $_size__tile_overlayer_lowered;
	s6 =	simm.s32 $_tile_overlayer_lowered  }
0x9b: {  	s22 =	simm.s32 $0x1BFF;
	s21 =	sshll.u32 s6, $0x1;
	s3 =	sadd.s32 s4, s19  }
0x9c: {  	s7 =	simm.s32 $0x0;
	s20 =	sshll.u32 s5, $0x1;
	s5 =	sadd.s32 s21, s3  }
0x9d: {  	[timem:s7], [sflag:s22] =	dma.local [hbm:s5], s20  }
0x9e: {  	_ =	swait.ge [sflag:s22], s20  }
0x9f: {  	s4 =	ssub.s32 $0x0, s20;
	[sflag:s22] =	ssyncset.done $0x0  }
0xa0: {  	[sflag:s22] =	ssyncadd.s32 s4;
	_ =	sdelay $0x1  }
0xa1: {  	s23 =	simm.s32 $0x1B8B  }
0xa2: {  	_ =	swait.ge [sflag:s23], $0x1  }
0xa3: {  	[sflag:s23] =	ssyncset.done $0x0  }
0xa4: {  	s25 =	simm.s32 $0x1B8E;
	s24 =	sld [smem:$0x3FFE];
	[sflag:s23] =	ssyncadd.s32 $0xFFFFFFFF  }
0xa5: {  	s26 =	simm.s32 $execute0_lowered;
	[smem:$0x3FD2] =	sst s25  }
0xa6: {  	s5 =	sshll.u32 s26, $0x1;
	_ =	strace $0x80000046;
	[dreg:$0x1] =	wrdreg $0xFFFFFFFF  }
0xa7: {  	s28 =	simm.s32 $_size_execute0_lowered;
	s3 =	sadd.s32 s3, s5;
	[dreg:$0x0] =	wrdreg $0x0  }
0xa8: {  	s5 =	sshll.u32 s28, $0x1;
	[dreg:$0x2] =	wrdreg s3  }
0xa9: {  	[dreg:$0x3] =	wrdreg s5  }
0xaa: {  	[dreg:$0x4] =	wrdreg $0xC0  }
0xab: {  	_ =	task [dreg:s7], $0x5FFFF  }
0xac: {  	[dreg:$0x1] =	wrdreg $0xFFFFFFFF  }
0xad: {  	[dreg:$0x0] =	wrdreg $0x60  }
0xae: {  	[dreg:$0x2] =	wrdreg s2  }
0xaf: {  	[dreg:$0x3] =	wrdreg s24  }
0xb0: {  	[dreg:$0x4] =	wrdreg $0x0  }
0xb1: {  	[dreg:$0x5] =	wrdreg $0x9  }
0xb2: {  	_ =	task.clear_ibuf [dreg:s7], $0x6FFFF;
	_ =	strace $0x90000046  }
0xb3: {  	s29 =	simm.s32 $0x9;
	_ =	strace $0x80000048  }
0xb4: {  	_ =	swait.ge [sflag:s29], $0x1  }
0xb5: {  	[sflag:s29] =	ssyncadd.s32 $0xFFFFFFFF  }
0xb6: {  	_ =	strace $0x90000048  }
0xb7: {  	_ =	sfence  }
0xb8: {  	s30 =	sld [smem:$0x0];
	_ =	sdelay $0x2  }
0xb9: {  	s31 =	sshll.u32 s1, $0xD;
	s1 =	sshrl.u32 s1, $0x2  }
0xba: {  	s3 =	sand.u32 $0x4000, s31;
	s1 =	sadd.s32 s1, s30  }
0xbb: {  	s0 =	sor.u32 s3, s0;
	s1 =	sshll.u32 s1, $0x11  }
0xbc: {  	s0 =	sor.u32 s1, s0  }
0xbd: {  	s0 =	sadd.s32 $0x8F2B, s0  }
0xbe: {  	[sflag:s0] =	ssyncadd.remote.s32 $0x1  }
0xbf: {  	_ =	sfence.sel $0xFFFF  }
0xc0: {  	[dreg:$0x0] =	wrdreg $0xFFFFFFFF;
	(pc) =	sbr.abs _section_cstart, $3  }
0xc1: {  	[dreg:$0x1] =	wrdreg $0xFFFFFFFF  }
0xc2: {  	_ =	task.clear_ibuf [dreg:s7], $0x2FFFF;
	_ =	strace $0x9FFFFFFF  }
0xc3: {  	(tm) =	ssettm $0x7FFFFFFF  }
tec
execute0_lowered:
.L_overlay_start_1:
0x0: {  	(tag) =	ssettag $0x1  }
0x1: {  	s0 =	rddreg [dreg:$0x0]  }
0x2: {  	s3 =	rddreg [dreg:$0x1]  }
0x3: {  	s1 =	rddreg [dreg:$0x2]  }
0x4: {  	s4 =	srdreg.scid;
	s5 =	stileid.u32;
	s2 =	simm.s32 $0x0  }
0x5: {  	s13 =	simm.s32 $0x1080;
	s14 =	simm.s32 $0x1;
	s15 =	simm.s32 $0x3  }
0x6: {  	s16 =	simm.s32 $0x50;
	s30 =	simm.s32 $0xD70;
	s28 =	simm.s32 $0x2  }
0x7: {  	s29 =	simm.s32 $0x4;
	s17 =	simm.s32 $0x8;
	s31 =	simm.s32 $0xD70  }
0x8: {  	s6 =	sand.u32 $0x1, s4;
	s20 =	sshll.u32 s5, $0x1;
	[smem:$0x7FF] =	sst s2  }
0x9: {  	s21 =	sadd.s32 $0xC00, s3;
	s4 =	sadd.s32 $0xF43000, s3;
	s10 =	smul.u32 $0xC800, s5  }
0xa: {  	s3 =	sadd.s32 $0x2600, s3;
	s25 =	smul.u32 $0xC8000, s5;
	p0 =	sne.s32 s5, $0x0  }
0xb: {  	s5 =	simm.s32 $0x5;
	s7 =	sor.u32 s6, s20;
	s12 =	smul.u32 $0x6400, s6  }
0xc: {  	_ =	strace $0x80000047;
	s9 =	ssub.s32 $0x2, s6;
	s6 =	smul.u32 $0x64000, s6  }
0xd: {  	[dreg:$0x6] =	wrdreg s21;
	s8 =	smul.u32 $0x6400, s7;
	s11 =	sshrl.u32 s9, $0x1  }
0xe: {  	s21 =	simm.s32 $0xCD0;
	s7 =	smul.u32 $0x320000, s7;
	s9 =	ssub.s32 s9, s11  }
0xf: {  	s22 =	sadd.s32 s12, s10;
	s12 =	simm.s32 $0xC80;
	s11 =	simm.s32 $0x7  }
0x10: {  	s10 =	simm.s32 $0x6;
	s8 =	sshrl.u32 s8, $0x3;
	s7 =	sshrl.u32 s7, $0x3  }
0x11: {  	s24 =	sadd.s32 $0x4B0, s22;
	s9 =	smax.u32 s9, $0x1;
	s8 =	sadd.s32 s0, s8  }
0x12: {  	s7 =	sadd.s32 s3, s7;
	[dreg:$0xb] =	wrdreg s9;
	s3 =	sadd.s32 s25, s3  }
0x13: {  	s25 =	simm.s32 $0xE80;
	[dreg:$0x7] =	wrdreg s8;
	s8 =	sadd.s32 $0x32, s8  }
0x14: {  	s9 =	simm.s32 $0x17880;
	s23 =	sadd.s32 $0x60E00, s7;
	[dreg:$0x8] =	wrdreg s8  }
0x15: {  	s7 =	sadd.s32 $0x62700, s7;
	s3 =	sadd.s32 s6, s3;
	[dreg:$0x9] =	wrdreg s23  }
0x16: {  	s6 =	simm.s32 $0xB080;
	[dreg:$0xa] =	wrdreg s7;
	s7 =	sshrl.u32 s24, $0x3  }
0x17: {  	s8 =	sor.u32 $0x320, s22;
	s3 =	sadd.s32 $0x1900, s3;
	s22 =	simm.s32 $0x3880  }
0x18: {  	s23 =	simm.s32 $0xD20;
	s24 =	simm.s32 $0x6080;
	s7 =	sadd.s32 s7, s0  }
0x19: {  	s26 =	sshrl.u32 s8, $0x3;
	[dreg:$0xc] =	wrdreg s3;
	s3 =	simm.s32 $0xDC0  }
0x1a: {  	s8 =	simm.s32 $0xFC0;
	[dreg:$0x4] =	wrdreg s7;
	s0 =	sadd.s32 s26, s0  }
0x1b: {  	s26 =	simm.s32 $0xD880;
	[dreg:$0x5] =	wrdreg s0;
	s0 =	sshrl.u32 @!p0 s1, $0x3  }
0x1c: {  	s7 =	simm.s32 $0x0;
	[dreg:$0xd] =	wrdreg s0;
	s0 =	simm.s32 $0x8880  }
.LBB2_1:
0x1d: {  	[dreg:$0xe] =	wrdreg s7  }
0x1e: {  	s19 =	rddreg [dreg:$0x6]  }
0x1f: {  	s18 =	simm.s32 @!p0 $0x1C09;
	s20 =	rddreg [dreg:$0xd]  }
0x20: {  	[spmem:s20], [sflag:s18] =	dma.local @!p0 [hbm:s19], $0x1900  }
0x21: {  	s18 =	simm.s32 @!p0 $0x9  }
0x22: {  	_ =	swait.ge @!p0 [sflag:s18], $0x1900  }
0x23: {  	[sflag:s18] =	ssyncset.done @!p0 $0x0  }
0x24: {  	[sflag:s18] =	ssyncadd.s32 @!p0 $0xFFFFE700  }
0x25: {  	[bflag:$0x0] =	sbarrier.arrive $0xFFFF  }
0x26: {  	s20 =	rddreg [dreg:$0x7]  }
0x27: {  	[tilespmem:s12], [sflag:$0x1] =	stream.linear.gather [hbm4b:s20+s2], $0x190, $0x38;
	[tilespmem:$0x1A080] =	vst v63  }
0x28: {  	_ = 	snop  }
0x29: {  	[tilespmem:s13], [sflag:$0x3] =	stream.linear.gather [spmem:s1], $0xC800, $0x38;
	[tilespmem:$0x1A080] =	vst v63  }
0x2a: {  	_ =	swait.ge [sflag:s14], $0x190  }
0x2b: {  	[sflag:s14] =	ssyncset.done $0x0  }
0x2c: {  	[sflag:s14] =	ssyncadd.s32 $0xFFFFFE70  }
0x2d: {  	_ =	swait.ge [sflag:s15], $0xC800  }
0x2e: {  	[sflag:s15] =	ssyncset.done $0x0  }
0x2f: {  	[sflag:s15] =	ssyncadd.s32 $0xFFFF3800  }
0x30: {  	[tilespmem:s13], [sflag:$0x5] =	stream.indirect.gather.add.f32 [hbm:s4], $0x80, s12, s16, $0xb8;
	[tilespmem:$0x1A080] =	vst v63  }
0x31: {  	_ = 	snop  }
0x32: {  	[tilespmem:s22], [sflag:$0x5] =	stream.indirect.gather.add.f32 [hbm:s4], $0x80, s21, s16, $0xb8;
	[tilespmem:$0x1A080] =	vst v63  }
0x33: {  	_ = 	snop  }
0x34: {  	[tilespmem:s24], [sflag:$0x5] =	stream.indirect.gather.add.f32 [hbm:s4], $0x80, s23, s16, $0xb8;
	[tilespmem:$0x1A080] =	vst v63  }
0x35: {  	_ = 	snop  }
0x36: {  	[tilespmem:s0], [sflag:$0x5] =	stream.indirect.gather.add.f32 [hbm:s4], $0x80, s30, s16, $0xb8;
	[tilespmem:$0x1A080] =	vst v63  }
0x37: {  	_ = 	snop  }
0x38: {  	[tilespmem:s6], [sflag:$0x5] =	stream.indirect.gather.add.f32 [hbm:s4], $0x80, s3, s16, $0xb8;
	[tilespmem:$0x1A080] =	vst v63  }
0x39: {  	s7 =	rddreg [dreg:$0x8]  }
0x3a: {  	[tilespmem:s25], [sflag:$0x2] =	stream.linear.gather [hbm4b:s7+s2], $0x190, $0x38;
	[tilespmem:$0x1A080] =	vst v63  }
0x3b: {  	_ = 	snop  }
0x3c: {  	[tilespmem:s26], [sflag:$0x4] =	stream.linear.gather [spmem:s1], $0xC800, $0x38;
	[tilespmem:$0x1A080] =	vst v63  }
0x3d: {  	_ =	swait.ge [sflag:s28], $0x190  }
0x3e: {  	[sflag:s28] =	ssyncset.done $0x0  }
0x3f: {  	[sflag:s28] =	ssyncadd.s32 $0xFFFFFE70  }
0x40: {  	_ =	swait.ge [sflag:s29], $0xC800  }
0x41: {  	[sflag:s29] =	ssyncset.done $0x0  }
0x42: {  	[sflag:s29] =	ssyncadd.s32 $0xFFFF3800  }
0x43: {  	[tilespmem:s26], [sflag:$0x6] =	stream.indirect.gather.add.f32 [hbm:s4], $0x80, s25, s16, $0xb8;
	[tilespmem:$0x1A080] =	vst v63  }
0x44: {  	s19 =	simm.s32 $0xED0;
	s20 =	simm.s32 $0x10080  }
0x45: {  	[tilespmem:s20], [sflag:$0x6] =	stream.indirect.gather.add.f32 [hbm:s4], $0x80, s19, s16, $0xb8;
	[tilespmem:$0x1A080] =	vst v63  }
0x46: {  	s19 =	simm.s32 $0xF20;
	s20 =	simm.s32 $0x12880  }
0x47: {  	[tilespmem:s20], [sflag:$0x6] =	stream.indirect.gather.add.f32 [hbm:s4], $0x80, s19, s16, $0xb8;
	[tilespmem:$0x1A080] =	vst v63  }
0x48: {  	s19 =	simm.s32 $0xF70;
	s20 =	simm.s32 $0x15080  }
0x49: {  	[tilespmem:s20], [sflag:$0x6] =	stream.indirect.gather.add.f32 [hbm:s4], $0x80, s19, s16, $0xb8;
	[tilespmem:$0x1A080] =	vst v63  }
0x4a: {  	_ = 	snop  }
0x4b: {  	[tilespmem:s9], [sflag:$0x6] =	stream.indirect.gather.add.f32 [hbm:s4], $0x80, s8, s16, $0xb8;
	[tilespmem:$0x1A080] =	vst v63  }
0x4c: {  	_ =	swait.ge [sflag:s5], $0x2800  }
0x4d: {  	[sflag:s5] =	ssyncset.done $0x0  }
0x4e: {  	[sflag:s5] =	ssyncadd.s32 $0xFFFFD800  }
0x4f: {  	_ =	swait.ge [sflag:s5], $0x2800  }
0x50: {  	[sflag:s5] =	ssyncset.done $0x0  }
0x51: {  	[sflag:s5] =	ssyncadd.s32 $0xFFFFD800  }
0x52: {  	_ =	swait.ge [sflag:s5], $0x2800  }
0x53: {  	[sflag:s5] =	ssyncset.done $0x0  }
0x54: {  	[sflag:s5] =	ssyncadd.s32 $0xFFFFD800  }
0x55: {  	_ =	swait.ge [sflag:s5], $0x2800  }
0x56: {  	[sflag:s5] =	ssyncset.done $0x0  }
0x57: {  	[sflag:s5] =	ssyncadd.s32 $0xFFFFD800  }
0x58: {  	_ =	swait.ge [sflag:s5], $0x2800  }
0x59: {  	[sflag:s5] =	ssyncset.done $0x0;
	s19 =	rddreg [dreg:$0xc]  }
0x5a: {  	[sflag:s5] =	ssyncadd.s32 $0xFFFFD800;
	s7 =	sadd.s32 $0xFFFFE700, s19  }
0x5b: {  	[hbm4b:s7+s2] =	stream.linear.scatter [tilespmem:s13], [sflag:$0x7], $0xC800, $0x38;
	[tilespmem:$0x1A080] =	vst v63  }
0x5c: {  	_ =	swait.ge [sflag:s11], $0xC800  }
0x5d: {  	s20 =	rddreg [dreg:$0x5];
	[sflag:s11] =	ssyncset.done $0x0  }
0x5e: {  	[sflag:s11] =	ssyncadd.s32 $0xFFFF3800;
	s18 =	sadd.s32 $0x0, s20  }
0x5f: {  	[tilespmem:s12], [sflag:$0x1] =	stream.linear.gather [hbm4b:s18+s2], $0x190, $0x38;
	[tilespmem:$0x1A080] =	vst v63  }
0x60: {  	_ = 	snop  }
0x61: {  	[tilespmem:s13], [sflag:$0x3] =	stream.linear.gather [spmem:s1], $0xC800, $0x38;
	[tilespmem:$0x1A080] =	vst v63  }
0x62: {  	_ =	swait.ge [sflag:s14], $0x190  }
0x63: {  	[sflag:s14] =	ssyncset.done $0x0  }
0x64: {  	[sflag:s14] =	ssyncadd.s32 $0xFFFFFE70  }
0x65: {  	_ =	swait.ge [sflag:s15], $0xC800  }
0x66: {  	[sflag:s15] =	ssyncset.done $0x0  }
0x67: {  	[sflag:s15] =	ssyncadd.s32 $0xFFFF3800  }
0x68: {  	[tilespmem:s13], [sflag:$0x5] =	stream.indirect.gather.add.f32 [hbm:s4], $0x80, s12, s16, $0xb8;
	[tilespmem:$0x1A080] =	vst v63  }
0x69: {  	_ = 	snop  }
0x6a: {  	[tilespmem:s22], [sflag:$0x5] =	stream.indirect.gather.add.f32 [hbm:s4], $0x80, s21, s16, $0xb8;
	[tilespmem:$0x1A080] =	vst v63  }
0x6b: {  	_ = 	snop  }
0x6c: {  	[tilespmem:s24], [sflag:$0x5] =	stream.indirect.gather.add.f32 [hbm:s4], $0x80, s23, s16, $0xb8;
	[tilespmem:$0x1A080] =	vst v63  }
0x6d: {  	_ = 	snop  }
0x6e: {  	[tilespmem:s0], [sflag:$0x5] =	stream.indirect.gather.add.f32 [hbm:s4], $0x80, s30, s16, $0xb8;
	[tilespmem:$0x1A080] =	vst v63  }
0x6f: {  	_ = 	snop  }
0x70: {  	[tilespmem:s6], [sflag:$0x5] =	stream.indirect.gather.add.f32 [hbm:s4], $0x80, s3, s16, $0xb8;
	[tilespmem:$0x1A080] =	vst v63  }
0x71: {  	_ =	swait.ge [sflag:s10], $0x2800  }
0x72: {  	[sflag:s10] =	ssyncset.done $0x0  }
0x73: {  	[sflag:s10] =	ssyncadd.s32 $0xFFFFD800  }
0x74: {  	_ =	swait.ge [sflag:s10], $0x2800  }
0x75: {  	[sflag:s10] =	ssyncset.done $0x0  }
0x76: {  	[sflag:s10] =	ssyncadd.s32 $0xFFFFD800  }
0x77: {  	_ =	swait.ge [sflag:s10], $0x2800  }
0x78: {  	[sflag:s10] =	ssyncset.done $0x0  }
0x79: {  	[sflag:s10] =	ssyncadd.s32 $0xFFFFD800  }
0x7a: {  	_ =	swait.ge [sflag:s10], $0x2800  }
0x7b: {  	[sflag:s10] =	ssyncset.done $0x0  }
0x7c: {  	[sflag:s10] =	ssyncadd.s32 $0xFFFFD800  }
0x7d: {  	_ =	swait.ge [sflag:s10], $0x2800  }
0x7e: {  	[sflag:s10] =	ssyncset.done $0x0  }
0x7f: {  	s22 =	simm.s32 $0xCD0;
	s23 =	simm.s32 $0x3880;
	[sflag:s10] =	ssyncadd.s32 $0xFFFFD800  }
0x80: {  	[hbm4b:s19+s2] =	stream.linear.scatter [tilespmem:s26], [sflag:$0x8], $0xC800, $0x38;
	[tilespmem:$0x1A080] =	vst v63  }
0x81: {  	s0 =	simm.s32 $0x8880;
	s30 =	simm.s32 $0x6080;
	_ =	swait.ge [sflag:s17], $0xC800  }
0x82: {  	s3 =	simm.s32 $0xDC0;
	s24 =	rddreg [dreg:$0x4];
	[sflag:s17] =	ssyncset.done $0x0  }
0x83: {  	s6 =	simm.s32 $0xB080;
	[sflag:s17] =	ssyncadd.s32 $0xFFFF3800;
	s18 =	sadd.s32 $0x0, s24  }
0x84: {  	[tilespmem:s25], [sflag:$0x2] =	stream.linear.gather [hbm4b:s18+s2], $0x190, $0x38;
	[tilespmem:$0x1A080] =	vst v63  }
0x85: {  	s19 =	sadd.s32 $0x3200, s19;
	s24 =	simm.s32 $0xD20;
	s18 =	simm.s32 $0x64  }
.LBB2_2:
0x86: {  	[tilespmem:s26], [sflag:$0x4] =	stream.linear.gather [spmem:s1], $0xC800, $0x38;
	[tilespmem:$0x1A080] =	vst v63  }
0x87: {  	_ =	swait.ge [sflag:s28], $0x190  }
0x88: {  	[sflag:s28] =	ssyncset.done $0x0  }
0x89: {  	[sflag:s28] =	ssyncadd.s32 $0xFFFFFE70  }
0x8a: {  	_ =	swait.ge [sflag:s29], $0xC800  }
0x8b: {  	[sflag:s29] =	ssyncset.done $0x0  }
0x8c: {  	[sflag:s29] =	ssyncadd.s32 $0xFFFF3800  }
0x8d: {  	[tilespmem:s26], [sflag:$0x6] =	stream.indirect.gather.add.f32 [hbm:s4], $0x80, s25, s16, $0xb8;
	[tilespmem:$0x1A080] =	vst v63  }
0x8e: {  	s21 =	simm.s32 $0xED0;
	s7 =	simm.s32 $0x10080  }
0x8f: {  	[tilespmem:s7], [sflag:$0x6] =	stream.indirect.gather.add.f32 [hbm:s4], $0x80, s21, s16, $0xb8;
	[tilespmem:$0x1A080] =	vst v63  }
0x90: {  	s7 =	simm.s32 $0xF20;
	s21 =	simm.s32 $0x12880  }
0x91: {  	[tilespmem:s21], [sflag:$0x6] =	stream.indirect.gather.add.f32 [hbm:s4], $0x80, s7, s16, $0xb8;
	[tilespmem:$0x1A080] =	vst v63  }
0x92: {  	s7 =	simm.s32 $0xF70;
	s21 =	simm.s32 $0x15080  }
0x93: {  	[tilespmem:s21], [sflag:$0x6] =	stream.indirect.gather.add.f32 [hbm:s4], $0x80, s7, s16, $0xb8;
	[tilespmem:$0x1A080] =	vst v63  }
0x94: {  	_ = 	snop  }
0x95: {  	[tilespmem:s9], [sflag:$0x6] =	stream.indirect.gather.add.f32 [hbm:s4], $0x80, s8, s16, $0xb8;
	[tilespmem:$0x1A080] =	vst v63  }
0x96: {  	_ =	swait.ge [sflag:s5], $0x2800  }
0x97: {  	[sflag:s5] =	ssyncset.done $0x0  }
0x98: {  	[sflag:s5] =	ssyncadd.s32 $0xFFFFD800  }
0x99: {  	_ =	swait.ge [sflag:s5], $0x2800  }
0x9a: {  	[sflag:s5] =	ssyncset.done $0x0  }
0x9b: {  	[sflag:s5] =	ssyncadd.s32 $0xFFFFD800  }
0x9c: {  	_ =	swait.ge [sflag:s5], $0x2800  }
0x9d: {  	[sflag:s5] =	ssyncset.done $0x0  }
0x9e: {  	[sflag:s5] =	ssyncadd.s32 $0xFFFFD800  }
0x9f: {  	_ =	swait.ge [sflag:s5], $0x2800  }
0xa0: {  	[sflag:s5] =	ssyncset.done $0x0  }
0xa1: {  	[sflag:s5] =	ssyncadd.s32 $0xFFFFD800  }
0xa2: {  	_ =	swait.ge [sflag:s5], $0x2800  }
0xa3: {  	[sflag:s5] =	ssyncset.done $0x0  }
0xa4: {  	s7 =	sadd.s32 $0xFFFFE700, s19;
	[sflag:s5] =	ssyncadd.s32 $0xFFFFD800  }
0xa5: {  	[hbm4b:s7+s2] =	stream.linear.scatter [tilespmem:s13], [sflag:$0x7], $0xC800, $0x38;
	[tilespmem:$0x1A080] =	vst v63  }
0xa6: {  	_ =	swait.ge [sflag:s11], $0xC800  }
0xa7: {  	s20 =	smov.u32 s18;
	s7 =	rddreg [dreg:$0x5];
	[sflag:s11] =	ssyncset.done $0x0  }
0xa8: {  	[sflag:s11] =	ssyncadd.s32 $0xFFFF3800;
	s21 =	sadd.s32 s20, s7  }
0xa9: {  	[tilespmem:s12], [sflag:$0x1] =	stream.linear.gather [hbm4b:s21+s2], $0x190, $0x38;
	[tilespmem:$0x1A080] =	vst v63  }
0xaa: {  	_ = 	snop  }
0xab: {  	[tilespmem:s13], [sflag:$0x3] =	stream.linear.gather [spmem:s1], $0xC800, $0x38;
	[tilespmem:$0x1A080] =	vst v63  }
0xac: {  	_ =	swait.ge [sflag:s14], $0x190  }
0xad: {  	[sflag:s14] =	ssyncset.done $0x0  }
0xae: {  	[sflag:s14] =	ssyncadd.s32 $0xFFFFFE70  }
0xaf: {  	_ =	swait.ge [sflag:s15], $0xC800  }
0xb0: {  	[sflag:s15] =	ssyncset.done $0x0  }
0xb1: {  	[sflag:s15] =	ssyncadd.s32 $0xFFFF3800  }
0xb2: {  	[tilespmem:s13], [sflag:$0x5] =	stream.indirect.gather.add.f32 [hbm:s4], $0x80, s12, s16, $0xb8;
	[tilespmem:$0x1A080] =	vst v63  }
0xb3: {  	_ = 	snop  }
0xb4: {  	[tilespmem:s23], [sflag:$0x5] =	stream.indirect.gather.add.f32 [hbm:s4], $0x80, s22, s16, $0xb8;
	[tilespmem:$0x1A080] =	vst v63  }
0xb5: {  	_ = 	snop  }
0xb6: {  	[tilespmem:s30], [sflag:$0x5] =	stream.indirect.gather.add.f32 [hbm:s4], $0x80, s24, s16, $0xb8;
	[tilespmem:$0x1A080] =	vst v63  }
0xb7: {  	_ = 	snop  }
0xb8: {  	[tilespmem:s0], [sflag:$0x5] =	stream.indirect.gather.add.f32 [hbm:s4], $0x80, s31, s16, $0xb8;
	[tilespmem:$0x1A080] =	vst v63  }
0xb9: {  	_ = 	snop  }
0xba: {  	[tilespmem:s6], [sflag:$0x5] =	stream.indirect.gather.add.f32 [hbm:s4], $0x80, s3, s16, $0xb8;
	[tilespmem:$0x1A080] =	vst v63  }
0xbb: {  	_ =	swait.ge [sflag:s10], $0x2800  }
0xbc: {  	[sflag:s10] =	ssyncset.done $0x0  }
0xbd: {  	[sflag:s10] =	ssyncadd.s32 $0xFFFFD800  }
0xbe: {  	_ =	swait.ge [sflag:s10], $0x2800  }
0xbf: {  	[sflag:s10] =	ssyncset.done $0x0  }
0xc0: {  	[sflag:s10] =	ssyncadd.s32 $0xFFFFD800  }
0xc1: {  	_ =	swait.ge [sflag:s10], $0x2800  }
0xc2: {  	[sflag:s10] =	ssyncset.done $0x0  }
0xc3: {  	[sflag:s10] =	ssyncadd.s32 $0xFFFFD800  }
0xc4: {  	_ =	swait.ge [sflag:s10], $0x2800  }
0xc5: {  	[sflag:s10] =	ssyncset.done $0x0  }
0xc6: {  	[sflag:s10] =	ssyncadd.s32 $0xFFFFD800  }
0xc7: {  	_ =	swait.ge [sflag:s10], $0x2800  }
0xc8: {  	[sflag:s10] =	ssyncset.done $0x0  }
0xc9: {  	p1 =	sne.s32 s18, $0xBB8;
	[sflag:s10] =	ssyncadd.s32 $0xFFFFD800  }
0xca: {  	[hbm4b:s19+s2] =	stream.linear.scatter [tilespmem:s26], [sflag:$0x8], $0xC800, $0x38;
	[tilespmem:$0x1A080] =	vst v63  }
.Ltmp0:
0xcb: {  	_ = 	snop;
	(pc) =	sbr.rel @p1 .LBB2_2-.Ltmp0, $4  }
0xcc: {  	_ =	swait.ge [sflag:s17], $0xC800  }
0xcd: {  	s18 =	sadd.s32 $0x64, s18;
	s7 =	rddreg [dreg:$0x4];
	[sflag:s17] =	ssyncset.done $0x0  }
0xce: {  	s19 =	sadd.s32 $0x3200, s19;
	[sflag:s17] =	ssyncadd.s32 $0xFFFF3800;
	s20 =	sadd.s32 s20, s7  }
0xcf: {  	[tilespmem:s25], [sflag:$0x2] =	stream.linear.gather [hbm4b:s20+s2], $0x190, $0x38;
	[tilespmem:$0x1A080] =	vst v63  }
0xd0: {  	[tilespmem:s26], [sflag:$0x4] =	stream.linear.gather [spmem:s1], $0xC800, $0x38;
	[tilespmem:$0x1A080] =	vst v63  }
0xd1: {  	_ =	swait.ge [sflag:s28], $0x190  }
0xd2: {  	[sflag:s28] =	ssyncset.done $0x0  }
0xd3: {  	[sflag:s28] =	ssyncadd.s32 $0xFFFFFE70  }
0xd4: {  	_ =	swait.ge [sflag:s29], $0xC800  }
0xd5: {  	[sflag:s29] =	ssyncset.done $0x0  }
0xd6: {  	[sflag:s29] =	ssyncadd.s32 $0xFFFF3800  }
0xd7: {  	[tilespmem:s26], [sflag:$0x6] =	stream.indirect.gather.add.f32 [hbm:s4], $0x80, s25, s16, $0xb8;
	[tilespmem:$0x1A080] =	vst v63  }
0xd8: {  	s0 =	simm.s32 $0xED0;
	s3 =	simm.s32 $0x10080  }
0xd9: {  	[tilespmem:s3], [sflag:$0x6] =	stream.indirect.gather.add.f32 [hbm:s4], $0x80, s0, s16, $0xb8;
	[tilespmem:$0x1A080] =	vst v63  }
0xda: {  	s19 =	simm.s32 $0xF20;
	s20 =	simm.s32 $0x12880  }
0xdb: {  	[tilespmem:s20], [sflag:$0x6] =	stream.indirect.gather.add.f32 [hbm:s4], $0x80, s19, s16, $0xb8;
	[tilespmem:$0x1A080] =	vst v63  }
0xdc: {  	s21 =	simm.s32 $0xF70;
	s22 =	simm.s32 $0x15080  }
0xdd: {  	[tilespmem:s22], [sflag:$0x6] =	stream.indirect.gather.add.f32 [hbm:s4], $0x80, s21, s16, $0xb8;
	[tilespmem:$0x1A080] =	vst v63  }
0xde: {  	_ = 	snop  }
0xdf: {  	[tilespmem:s9], [sflag:$0x6] =	stream.indirect.gather.add.f32 [hbm:s4], $0x80, s8, s16, $0xb8;
	[tilespmem:$0x1A080] =	vst v63  }
0xe0: {  	_ =	swait.ge [sflag:s5], $0x2800  }
0xe1: {  	[sflag:s5] =	ssyncset.done $0x0  }
0xe2: {  	[sflag:s5] =	ssyncadd.s32 $0xFFFFD800  }
0xe3: {  	_ =	swait.ge [sflag:s5], $0x2800  }
0xe4: {  	[sflag:s5] =	ssyncset.done $0x0  }
0xe5: {  	[sflag:s5] =	ssyncadd.s32 $0xFFFFD800  }
0xe6: {  	_ =	swait.ge [sflag:s5], $0x2800  }
0xe7: {  	[sflag:s5] =	ssyncset.done $0x0  }
0xe8: {  	[sflag:s5] =	ssyncadd.s32 $0xFFFFD800  }
0xe9: {  	_ =	swait.ge [sflag:s5], $0x2800  }
0xea: {  	[sflag:s5] =	ssyncset.done $0x0  }
0xeb: {  	[sflag:s5] =	ssyncadd.s32 $0xFFFFD800  }
0xec: {  	_ =	swait.ge [sflag:s5], $0x2800  }
0xed: {  	[sflag:s5] =	ssyncset.done $0x0  }
0xee: {  	s18 =	rddreg [dreg:$0x9];
	[sflag:s5] =	ssyncadd.s32 $0xFFFFD800  }
0xef: {  	[hbm4b:s18+s2] =	stream.linear.scatter [tilespmem:s13], [sflag:$0x7], $0xC800, $0x38;
	[tilespmem:$0x1A080] =	vst v63  }
0xf0: {  	_ =	swait.ge [sflag:s10], $0x2800  }
0xf1: {  	[sflag:s10] =	ssyncset.done $0x0  }
0xf2: {  	[sflag:s10] =	ssyncadd.s32 $0xFFFFD800  }
0xf3: {  	_ =	swait.ge [sflag:s10], $0x2800  }
0xf4: {  	[sflag:s10] =	ssyncset.done $0x0  }
0xf5: {  	[sflag:s10] =	ssyncadd.s32 $0xFFFFD800  }
0xf6: {  	_ =	swait.ge [sflag:s10], $0x2800  }
0xf7: {  	[sflag:s10] =	ssyncset.done $0x0  }
0xf8: {  	[sflag:s10] =	ssyncadd.s32 $0xFFFFD800  }
0xf9: {  	_ =	swait.ge [sflag:s10], $0x2800  }
0xfa: {  	[sflag:s10] =	ssyncset.done $0x0  }
0xfb: {  	[sflag:s10] =	ssyncadd.s32 $0xFFFFD800  }
0xfc: {  	_ =	swait.ge [sflag:s10], $0x2800  }
0xfd: {  	[sflag:s10] =	ssyncset.done $0x0  }
0xfe: {  	s23 =	rddreg [dreg:$0xa];
	[sflag:s10] =	ssyncadd.s32 $0xFFFFD800  }
0xff: {  	[hbm4b:s23+s2] =	stream.linear.scatter [tilespmem:s26], [sflag:$0x8], $0xC800, $0x38;
	[tilespmem:$0x1A080] =	vst v63  }
0x100: {  	_ =	swait.ge [sflag:s11], $0xC800  }
0x101: {  	[sflag:s11] =	ssyncset.done $0x0  }
0x102: {  	[sflag:s11] =	ssyncadd.s32 $0xFFFF3800  }
0x103: {  	_ =	swait.ge [sflag:s17], $0xC800  }
0x104: {  	s7 =	rddreg [dreg:$0xe]  }
0x105: {  	s24 =	rddreg [dreg:$0xb];
	s7 =	sadd.s32 $0x1, s7  }
0x106: {  	p1 =	sne.s32 s7, s24  }
.Ltmp1:
0x107: {  	_ = 	snop;
	(pc) =	sbr.rel @p1 .LBB2_1-.Ltmp1, $4  }
0x108: {  	s30 =	simm.s32 $0xD70  }
0x109: {  	s6 =	simm.s32 $0xB080;
	s0 =	simm.s32 $0x8880;
	s3 =	simm.s32 $0xDC0  }
0x10a: {  	s21 =	simm.s32 $0xCD0;
	s22 =	simm.s32 $0x3880;
	[sflag:s17] =	ssyncset.done $0x0  }
0x10b: {  	s23 =	simm.s32 $0xD20;
	[sflag:s17] =	ssyncadd.s32 $0xFFFF3800;
	s24 =	simm.s32 $0x6080  }
0x10c: {  	_ =	sfence.sel $0x180000  }
0x10d: {  	[bflag:$0x0] =	sbarrier.arrive $0xFFFF  }
0x10e: {  	_ =	strace $0x90000047  }
0x10f: {  	[bflag:$0x2] =	sbarrier.arrive $0xFFFF  }
0x110: {  	s0 =	rddreg [dreg:$0x3]  }
0x111: {  	s0 =	sadd.s32 @!p0 $0x100000, s0  }
0x112: {  	[sflag:s0] =	ssyncadd.tile.s32 @!p0 $0x1;
	_ =	shalt  }
.Lfunc_end2:
_tile_overlayer_lowered:
.L_overlay_start_2:
0x113: {  	(tag) =	ssettag $0x2  }
0x114: {  	s0 =	rddreg [dreg:$0x0];
	s2 =	stileid.u32  }
0x115: {  	s1 =	rddreg [dreg:$0x1];
	p0 =	sne.s32 s2, $0x0  }
0x116: {  	s3 =	rddreg [dreg:$0x2];
	[bflag:$0x3] =	sbarrier.arrive $0xFFFF;
	s2 =	simm.s32 @!p0 $0x1C09  }
0x117: {  	[timem:s3], [sflag:s2] =	dma.local @!p0 [hbm:s0], s1  }
0x118: {  	s0 =	simm.s32 @!p0 $0x9  }
0x119: {  	_ =	swait.ge @!p0 [sflag:s0], s1  }
0x11a: {  	s1 =	ssub.s32 @!p0 $0x0, s1;
	[sflag:s0] =	ssyncset.done @!p0 $0x0  }
0x11b: {  	[sflag:s0] =	ssyncadd.s32 @!p0 s1  }
0x11c: {  	[bflag:$0x3] =	sbarrier.arrive $0xFFFF  }
0x11d: {  	_ =	shalt  }

// kernel: sparse-core-data-format-call.cloned.1.call-start
scs
called_computation_lowered:
.L_overlay_start_0:
0x0: {  	s2 =	sld [smem:$0x3FD9]  }
0x1: {  	s3 =	sld [smem:$0x3FFE];
	_ =	sdelay $0x1  }
0x2: {  	s1 =	srdreg.scid  }
0x3: {  	s0 =	sand.u32 $0x1, s1  }
0x4: {  	s18 =	sshll.u32 s0, $0xA;
	s2 =	sadd.s32 s3, s2  }
0x5: {  	s2 =	sadd.s32 s2, s18  }
0x6: {  	[smem:$0x3FC6] =	sst s2  }
0x7: {  	_ = 	snop  }
0x8: {  	s2 =	sld [smem:$0x3FD0];
	(tm) =	ssettm $0x1  }
0x9: {  	s19 =	sld [smem:$0x3FFB];
	_ =	sdelay $0x3  }
0xa: {  	_ =	strace s19  }
0xb: {  	s3 =	sld [smem:$0x3FFC];
	_ =	sdelay $0x3  }
0xc: {  	_ =	strace s3  }
0xd: {  	s3 =	sld [smem:$0x3FFD];
	_ =	sdelay $0x3  }
0xe: {  	_ =	strace s3  }
0xf: {  	_ =	strace $0x8FFFFFFF  }
0x10: {  	s20 =	sld [smem:$0x3FDB];
	_ =	sdelay $0x1  }
0x11: {  	s4 =	simm.s32 $_scs_section_size  }
0x12: {  	s5 =	simm.s32 $_size__tile_overlayer_lowered;
	s6 =	simm.s32 $_tile_overlayer_lowered  }
0x13: {  	s23 =	simm.s32 $0x1BFF;
	s22 =	sshll.u32 s6, $0x1;
	s3 =	sadd.s32 s4, s20  }
0x14: {  	s7 =	simm.s32 $0x0;
	s21 =	sshll.u32 s5, $0x1;
	s5 =	sadd.s32 s22, s3  }
0x15: {  	[timem:s7], [sflag:s23] =	dma.local [hbm:s5], s21  }
0x16: {  	_ =	swait.ge [sflag:s23], s21  }
0x17: {  	s4 =	ssub.s32 $0x0, s21;
	[sflag:s23] =	ssyncset.done $0x0  }
0x18: {  	[sflag:s23] =	ssyncadd.s32 s4;
	_ =	sdelay $0x1  }
0x19: {  	s24 =	simm.s32 $0x1B8B  }
0x1a: {  	_ =	swait.ge [sflag:s24], $0x1  }
0x1b: {  	[sflag:s24] =	ssyncset.done $0x0  }
0x1c: {  	s26 =	simm.s32 $0x1B8E;
	s25 =	sld [smem:$0x3FFE];
	[sflag:s24] =	ssyncadd.s32 $0xFFFFFFFF  }
0x1d: {  	s27 =	simm.s32 $execute0_lowered;
	[smem:$0x3FD2] =	sst s26  }
0x1e: {  	s5 =	sshll.u32 s27, $0x1;
	_ =	strace $0x80000049;
	[dreg:$0x1] =	wrdreg $0xFFFFFFFF  }
0x1f: {  	s28 =	simm.s32 $_size_execute0_lowered;
	s3 =	sadd.s32 s3, s5;
	[dreg:$0x0] =	wrdreg $0x0  }
0x20: {  	s5 =	sshll.u32 s28, $0x1;
	[dreg:$0x2] =	wrdreg s3  }
0x21: {  	[dreg:$0x3] =	wrdreg s5  }
0x22: {  	[dreg:$0x4] =	wrdreg $0xC0  }
0x23: {  	_ =	task [dreg:s7], $0x5FFFF  }
0x24: {  	[dreg:$0x1] =	wrdreg $0xFFFFFFFF  }
0x25: {  	[dreg:$0x0] =	wrdreg $0x60  }
0x26: {  	[dreg:$0x2] =	wrdreg s25  }
0x27: {  	[dreg:$0x3] =	wrdreg s2  }
0x28: {  	[dreg:$0x4] =	wrdreg $0x9  }
0x29: {  	_ =	task.clear_ibuf [dreg:s7], $0x5FFFF;
	_ =	strace $0x90000049  }
0x2a: {  	s29 =	simm.s32 $0x9;
	_ =	strace $0x8000004B  }
0x2b: {  	_ =	swait.ge [sflag:s29], $0x1  }
0x2c: {  	[sflag:s29] =	ssyncadd.s32 $0xFFFFFFFF  }
0x2d: {  	_ =	strace $0x9000004B  }
0x2e: {  	_ =	sfence  }
0x2f: {  	s30 =	sld [smem:$0x0];
	_ =	sdelay $0x2  }
0x30: {  	s31 =	sshll.u32 s1, $0xD;
	s1 =	sshrl.u32 s1, $0x2  }
0x31: {  	s3 =	sand.u32 $0x4000, s31;
	s1 =	sadd.s32 s1, s30  }
0x32: {  	s0 =	sor.u32 s3, s0;
	s1 =	sshll.u32 s1, $0x11  }
0x33: {  	s0 =	sor.u32 s1, s0  }
0x34: {  	s0 =	sadd.s32 $0x8F2B, s0  }
0x35: {  	[sflag:s0] =	ssyncadd.remote.s32 $0x1  }
0x36: {  	_ =	sfence.sel $0xFFFF  }
0x37: {  	[dreg:$0x0] =	wrdreg $0xFFFFFFFF;
	(pc) =	sbr.abs _section_cstart, $3  }
0x38: {  	[dreg:$0x1] =	wrdreg $0xFFFFFFFF  }
0x39: {  	_ =	task.clear_ibuf [dreg:s7], $0x2FFFF;
	_ =	strace $0x9FFFFFFF  }
0x3a: {  	(tm) =	ssettm $0x7FFFFFFF  }
0x3b: {  	_ =	shalt  }
tec
execute0_lowered:
.L_overlay_start_1:
0x0: {  	(tag) =	ssettag $0x1  }
0x1: {  	s0 =	srdreg.scid  }
0x2: {  	s1 =	sshll.u32 s0, $0x4  }
0x3: {  	s0 =	stileid.u32;
	s1 =	sand.u32 $0x10, s1  }
0x4: {  	s1 =	sor.u32 s0, s1  }
0x5: {  	s6 =	rddreg [dreg:$0x0];
	s4 =	simm.s32 $0x1;
	s2 =	sshll.u32 s1, $0x7  }
0x6: {  	s7 =	simm.s32 $0x2;
	s12 =	simm.s32 $0x0;
	s1 =	ssub.s32 $0x1000, s2  }
0x7: {  	s8 =	simm.s32 $0x8000;
	s13 =	simm.s32 $0x0;
	s3 =	sand.u32 $0xF80, s1  }
0x8: {  	s9 =	simm.s32 $0x0;
	s5 =	sshrl.u32 s1, $0xC;
	p0 =	sne.s32 s3, $0x0  }
.Ltmp0:
0x9: {  	s1 =	rddreg [dreg:$0x2];
	s4 =	simm.s32 @!p0 $0x0;
	(pc) =	sbr.rel .LBB1_1-.Ltmp0, $4  }
0xa: {  	s11 =	simm.s32 $0x0;
	s3 =	rddreg [dreg:$0x1];
	s5 =	sadd.s32 s4, s5  }
0xb: {  	_ =	strace $0x8000004A;
	s4 =	simm.s32 $0x1;
	s5 =	smul.u32 $0xC8, s5  }
0xc: {  	s6 =	sadd.s32 $0x2600, s6;
	s10 =	smov.u32 s2;
	[sflag:s4] =	ssyncpa.u1 $0x0  }
0xd: {  	p0 =	por $0x0, $0x0;
	[sflag:s7] =	ssyncpa.u1 $0x0;
	s7 =	sor.u32 $0x1, s5  }
.LBB1_4:
0xe: {  	s16 =	sshll.u32 s13, $0x3;
	s17 =	sand.u32 $0x78, s13  }
0xf: {  	s30 =	sand.u32 $0x7E00, s13;
	s12 =	sshll.u32 s12, $0xF;
	s16 =	sand.u32 $0xC00, s16  }
0x10: {  	[tilespmem:s15+$0x810 ss:$0x81] =	vst.msk $0xffff, v2;
	s31 =	sand.u32 $0x7, s13;
	s16 =	sor.u32 s17, s16;
	s17 =	sadd.s32 s3, s30  }
0x11: {  	[tilespmem:s15+$0x1020 ss:$0x81] =	vst.msk $0xffff, v0;
	s13 =	sshll.u32 s31, $0x12;
	s12 =	sadd.s32 s12, s17;
	s16 =	sshrl.u32 s16, $0x3  }
0x12: {  	[tilespmem:s15+$0x0 ss:$0x81] =	vst.msk $0xffff, v1;
	s13 =	sor.u32 $0x400, s13;
	s12 =	sadd.s32 s16, s12  }
0x13: {  	[hbm4b:s12+s13] =	stream.strided.scatter [tilespmem:s14], [sflag:$0x2], $0x2000, s8, s13, $0x20;
	[tilespmem:$0x8080] =	vst v63  }
.LBB1_5:
0x14: {  	s14 =	sadd.s32 $0x1, s9  }
0x15: {  	s12 =	sadd.s32 $0x1000, s10;
	s16 =	smov.u32 s10;
	p2 =	sgt.s32 s14, $0xC7  }
0x16: {  	s16 =	smov.u32 @p2 s12  }
0x17: {  	s14 =	simm.s32 @p2 $0x0;
	p2 =	sgt.s32 s16, $0xFFF  }
0x18: {  	s16 =	smov.u32 @p2 s2;
	p2 =	sne.s32 s11, s7  }
.Ltmp1:
0x19: {  	p1 =	slt.u32 s11, $0x2;
	(pc) =	sbr.rel @!p2 .LBB1_6-.Ltmp1, $4  }
0x1a: {  	s15 =	simm.s32 @!p1 $0x2  }
0x1b: {  	s13 =	smov.u32 s10;
	p0 =	por !p0, !p0;
	_ =	swait.ge @!p1 [sflag:s15], $0x2000  }
0x1c: {  	s12 =	smov.u32 s9;
	[sflag:s15] =	ssyncset.done @!p1 $0x0;
	s9 =	smov.u32 s14  }
0x1d: {  	s11 =	sadd.s32 $0x1, s11;
	[sflag:s15] =	ssyncadd.s32 @!p1 $0xFFFFE000;
	s10 =	smov.u32 s16  }
.LBB1_1:
0x1e: {  	p1 =	sge.u32 s11, s5  }
0x1f: {  	s14 =	sand.u32 @!p1 $0x1FFFFFF, s9  }
0x20: {  	s15 =	smulhi.u32 @!p1 $0x147AE15, s14;
	_ =	sdelay $0x1  }
0x21: {  	s15 =	smul.u32 @!p1 $0xC8, s15  }
0x22: {  	s16 =	sxor.u32 @!p1 $0xFFFFFFFF, s11;
	s17 =	smul.u32 @!p1 $0xC80, s10  }
0x23: {  	s31 =	sadd.s32 $0xFFFFFFFF, s11;
	s16 =	sshll.u32 @!p1 s16, $0xD;
	s14 =	ssub.s32 @!p1 s14, s15  }
0x24: {  	s15 =	sand.u32 @!p1 $0x2000, s16;
	s16 =	sadd.s32 @!p1 s6, s17;
	s14 =	sshll.u32 @!p1 s14, $0x4  }
0x25: {  	s17 =	simm.s32 @!p1 $0x6400;
	s14 =	sadd.s32 @!p1 s14, s16;
	s16 =	simm.s32 @!p1 $0x40  }
0x26: {  	[tilespmem:s15], [sflag:$0x1] =	stream.strided.gather @!p1 [hbm4b:s14+s16], $0x2000, s17, s16, $0x38;
	[tilespmem:$0x8080] =	vst v63  }
0x27: {  	p1 =	sge.u32 s31, s5  }
.Ltmp2:
0x28: {  	_ = 	snop;
	(pc) =	sbr.rel @p1 .LBB1_5-.Ltmp2, $1  }
0x29: {  	_ =	sdelay $0x3  }
0x2a: {  	s14 =	simm.s32 $0x1  }
0x2b: {  	_ =	swait.ge [sflag:s4], $0x2000;
	s14 =	simm.s32 @!p0 $0x0  }
0x2c: {  	[sflag:s4] =	ssyncset.done $0x0;
	s15 =	sshll.u32 s14, $0xD  }
0x2d: {  	[sflag:s4] =	ssyncadd.s32 $0xFFFFE000;
	s18 =	sor.u32 $0x20, s15  }
0x2e: {  	s14 =	smul.u32 $0x8100, s14;
	v3 =	vld [tilespmem:s18+$0x10]  }
0x2f: {  	s30 =	sand.u32 $0x1, s11;
	v2 =	vld [tilespmem:s18+$0xFFFFFFF0]  }
0x30: {  	s15 =	smul.u32 $0x8100, s30;
	s14 =	sshrl.u32 s14, $0x2;
	v0 =	vld [tilespmem:s18+$0x0]  }
0x31: {  	v1 =	vld [tilespmem:s18+$0xFFFFFFE0];
	s16 =	sor.u32 $0x4000, s14  }
0x32: {  	s31 =	sshrl.u32 s15, $0x2;
	s15 =	sadd.s32 $0x0, s16  }
0x33: {  	s17 =	simm.s32 $0x4;
	s18 =	sadd.s32 $0x40, s18;
	s14 =	sor.u32 $0x4000, s31;
	[tilespmem:s15+$0x1830 ss:$0x81] =	vst.msk $0xffff, v3  }
.LBB1_3:
0x34: {  	v3 =	vld [tilespmem:s18+$0x10];
	p1 =	sne.s32 s17, $0x1FC;
	[tilespmem:s15+$0x810 ss:$0x81] =	vst.msk $0xffff, v2;
	s19 =	smov.u32 s17;
	s17 =	sadd.s32 $0x4, s17  }
.Ltmp3:
0x35: {  	v2 =	vld [tilespmem:s18+$0xFFFFFFF0];
	[tilespmem:s15+$0x1020 ss:$0x81] =	vst.msk $0xffff, v0;
	(pc) =	sbr.rel @p1 .LBB1_3-.Ltmp3, $4  }
0x36: {  	v0 =	vld [tilespmem:s18+$0x0];
	[tilespmem:s15+$0x0 ss:$0x81] =	vst.msk $0xffff, v1  }
0x37: {  	s15 =	sshra.s32 s19, $0x2;
	v1 =	vld [tilespmem:s18+$0xFFFFFFE0]  }
0x38: {  	s15 =	sadd.s32 s15, s16  }
0x39: {  	s18 =	sadd.s32 $0x40, s18;
	[tilespmem:s15+$0x1830 ss:$0x81] =	vst.msk $0xffff, v3  }
.Ltmp4:
0x3a: {  	_ = 	snop;
	(pc) =	sbr.rel .LBB1_4-.Ltmp4, $1  }
0x3b: {  	_ =	sdelay $0x3  }
.LBB1_6:
0x3c: {  	_ =	sfence.sel $0x180000  }
0x3d: {  	s2 =	simm.s32 $0x1;
	[bflag:$0x0] =	sbarrier.arrive $0xFFFF  }
0x3e: {  	s31 =	simm.s32 $0x2;
	[sflag:s2] =	ssyncpa.u1 $0x1  }
0x3f: {  	[sflag:s31] =	ssyncpa.u1 $0x1  }
0x40: {  	p0 =	sne.s32 s0, $0x0;
	_ =	strace $0x9000004A  }
0x41: {  	s0 =	sadd.s32 @!p0 $0x100000, s1;
	[bflag:$0x2] =	sbarrier.arrive $0xFFFF  }
0x42: {  	[sflag:s0] =	ssyncadd.tile.s32 @!p0 $0x1;
	_ =	shalt  }
.Lfunc_end1:
_tile_overlayer_lowered:
.L_overlay_start_2:
0x43: {  	(tag) =	ssettag $0x2  }
0x44: {  	s0 =	rddreg [dreg:$0x0];
	s2 =	stileid.u32  }
0x45: {  	s1 =	rddreg [dreg:$0x1];
	p0 =	sne.s32 s2, $0x0  }
0x46: {  	s3 =	rddreg [dreg:$0x2];
	[bflag:$0x3] =	sbarrier.arrive $0xFFFF;
	s2 =	simm.s32 @!p0 $0x1C01  }
0x47: {  	[timem:s3], [sflag:s2] =	dma.local @!p0 [hbm:s0], s1  }
0x48: {  	s0 =	simm.s32 @!p0 $0x1  }
0x49: {  	_ =	swait.ge @!p0 [sflag:s0], s1  }
0x4a: {  	s1 =	ssub.s32 @!p0 $0x0, s1;
	[sflag:s0] =	ssyncset.done @!p0 $0x0  }
0x4b: {  	[sflag:s0] =	ssyncadd.s32 @!p0 s1  }
0x4c: {  	[bflag:$0x3] =	sbarrier.arrive $0xFFFF  }
0x4d: {  	_ =	shalt  }

</sc_bundles>
